<compile_context>
chip_gen: v7x
topology: tpu7x:2x2x1
jax: 0.10.2.dev20260603
libtpu: 0.0.44.dev20260713+nightly
codegen_flags: <defaults>
</compile_context>

<pallas_src>
import functools

import jax
import jax.numpy as jnp
from jax import lax
from jax.experimental import pallas as pl
from jax.experimental.pallas import tpu as pltpu
from jax.experimental.pallas import tpu_sc as plsc

NC = 2
NS = 16
NW = NC * NS
CH = 128
NCH = 40


def _make_aggregate_bf16(n_pad, F, nch, R, ch):
  rpt = n_pad // NS
  assert nch % R == 0 and F % 32 == 0
  Fw = F // 2

  mesh = plsc.VectorSubcoreMesh(
      core_axis_name="c", subcore_axis_name="s",
      num_cores=NC, num_subcores=NS)

  @functools.partial(
      pl.kernel,
      out_type=jax.ShapeDtypeStruct((NC, n_pad, F), jnp.float32),
      mesh=mesh,
      compiler_params=pltpu.CompilerParams(use_tc_tiling_on_sc=False,
                                           needs_layout_passes=False),
      scratch_types=[
          pltpu.VMEM((nch, ch), jnp.int32),
          pltpu.VMEM((nch, ch), jnp.int32),
          pltpu.VMEM((R, ch, Fw), jnp.int32),
          pltpu.VMEM((R, ch, F), jnp.float32),
          pltpu.VMEM_SHARED((n_pad, F), jnp.float32),
          [pltpu.SemaphoreType.DMA] * R,
      ],
  )
  def agg_kernel(table_hbm, src_hbm, dst_hbm, zeros_hbm, out_hbm,
                 src_v, dst_v, raw_v, rows_v, acc_sh, gsems):
    cid = lax.axis_index("c")
    sid = lax.axis_index("s")
    wid = sid * NC + cid
    r0 = sid * rpt
    pltpu.sync_copy(src_hbm.at[wid], src_v)
    pltpu.sync_copy(dst_hbm.at[wid], dst_v)
    pltpu.sync_copy(zeros_hbm.at[pl.ds(r0, rpt)], acc_sh.at[pl.ds(r0, rpt)])
    plsc.subcore_barrier()

    for b in range(R):
      pltpu.async_copy(table_hbm.at[src_v.at[b]], raw_v.at[b], gsems[b])

    def widen_row(r, b):
      for k in range(F // 32):
        w = raw_v[b, r, pl.ds(16 * k, 16)]
        rows_v[b, r, pl.ds(32 * k, 16)] = plsc.bitcast(
            lax.shift_left(w, 16), jnp.float32)
        rows_v[b, r, pl.ds(32 * k + 16, 16)] = plsc.bitcast(
            lax.bitwise_and(w, jnp.int32(-65536)), jnp.float32)

    def grp(g, carry):
      i0 = g * R
      for b in range(R):
        i = i0 + b
        pltpu.make_async_copy(
            table_hbm.at[src_v.at[i]], raw_v.at[b], gsems[b]).wait()

        def row_body(r, c):
          widen_row(r, b)
          return c

        lax.fori_loop(0, ch, row_body, 0)
        nxt = i + R

        @pl.when(nxt < nch)
        def _():
          pltpu.async_copy(table_hbm.at[src_v.at[nxt]], raw_v.at[b],
                           gsems[b])
        pltpu.sync_copy(rows_v.at[b], acc_sh.at[dst_v.at[i]], add=True)
      return carry

    lax.fori_loop(0, nch // R, grp, 0)
    plsc.subcore_barrier()
    pltpu.sync_copy(acc_sh.at[pl.ds(r0, rpt)], out_hbm.at[cid, pl.ds(r0, rpt)])

  return agg_kernel


def _perm_cols(W):
  r, F = W.shape
  V = W.reshape(r, F // 32, 16, 2)
  return jnp.concatenate([V[..., 0], V[..., 1]], axis=2).reshape(r, F)


def _perm_rows(W):
  F = W.shape[0]
  V = W.reshape(F // 32, 16, 2, -1)
  return jnp.concatenate([V[:, :, 0, :], V[:, :, 1, :]],
                         axis=1).reshape(F, -1)


def _tile_indices(flat, fill, nch0, nch1, ch):
  n_max = max(nch0, nch1)
  n0 = NS * nch0 * ch
  parts = []
  for cnt, blk in ((nch0, flat[:n0]), (nch1, flat[n0:])):
    t = blk.reshape(NS, cnt, ch)
    if cnt < n_max:
      t = jnp.concatenate(
          [t, jnp.full((NS, n_max - cnt, ch), fill, jnp.int32)], axis=1)
    parts.append(t)
  return jnp.stack(parts, axis=1).reshape(NW, n_max, ch)


def _conv_body(x_ref, w_ref, b_ref, o_ref):
  acc = jnp.dot(x_ref[...], w_ref[...], preferred_element_type=jnp.float32)
  o_ref[...] = jnp.maximum(acc + b_ref[...], 0.0).astype(jnp.bfloat16)


def _mid_body(h0_ref, a0_ref, a1_ref, ws1_ref, wn1_ref, b1_ref, wn2_ref,
              h1_ref, p2_ref):
  a = a0_ref[0] + a1_ref[0]
  hn = a / jnp.maximum(a[:, 31:32], 1.0)
  h1 = jnp.maximum(
      jnp.dot(h0_ref[...].astype(jnp.float32), ws1_ref[...],
              preferred_element_type=jnp.float32)
      + jnp.dot(hn, wn1_ref[...], preferred_element_type=jnp.float32)
      + b1_ref[...], 0.0)
  h1_ref[...] = h1
  p2_ref[...] = jnp.dot(
      h1, wn2_ref[...],
      preferred_element_type=jnp.float32).astype(jnp.bfloat16)


def _head_body(h1_ref, a0_ref, a1_ref, c0_ref, c1_ref, ws2_ref, b2_ref,
               wf1_ref, bf1_ref, wf2_ref, bf2_ref, wf3_ref, bf3_ref, o_ref):
  deg = jnp.maximum(a0_ref[0, :, 31:32] + a1_ref[0, :, 31:32], 1.0)
  n2 = (c0_ref[0] + c1_ref[0]) / deg
  h2 = jnp.maximum(
      jnp.dot(h1_ref[...], ws2_ref[...], preferred_element_type=jnp.float32)
      + n2 + b2_ref[...], 0.0)
  t = jnp.maximum(
      jnp.dot(h2, wf1_ref[...], preferred_element_type=jnp.float32)
      + bf1_ref[...], 0.0)
  t = jnp.maximum(
      jnp.dot(t, wf2_ref[...], preferred_element_type=jnp.float32)
      + bf2_ref[...], 0.0)
  o_ref[...] = (jnp.dot(t, wf3_ref[...], preferred_element_type=jnp.float32)
                + bf3_ref[...])


def _full(shape):
  nd = len(shape)
  return pl.BlockSpec(shape, lambda i: (0,) * nd)


def kernel(x, edge_index, conv1d_w, conv1d_b, W_self1, W_neigh1, b1,
           W_self2, W_neigh2, b2, W_fc1, b_fc1, W_fc2, b_fc2, W_fc3, b_fc3):
  N, D = x.shape
  E = edge_index.shape[1]
  K = conv1d_w.shape[2]
  S = 8
  C1 = W_self1.shape[0]
  C1P = C1 + 1
  H = W_self1.shape[1]
  H2 = W_self2.shape[1]

  BLK = 1024
  n_pad = ((N + 1 + BLK - 1) // BLK) * BLK
  e_pad = NS * 2 * NCH * CH
  assert e_pad >= E
  grid = (n_pad // BLK,)

  f32 = jnp.float32

  rows = (jnp.arange(C1)[:, None] * S + jnp.arange(K)[None, :]).reshape(-1)
  cols = jnp.repeat(jnp.arange(C1), K)
  Wc = jnp.zeros((D, C1P), f32).at[rows, cols].set(
      jnp.tile(conv1d_w[0, 0], C1))
  bc = jnp.concatenate([jnp.broadcast_to(conv1d_b, (C1,)),
                        jnp.ones((1,), f32)]).reshape(1, C1P)

  Ws1p = jnp.zeros((C1P, H), f32).at[:C1].set(W_self1)
  Wn1p = jnp.zeros((C1P, H), f32).at[:C1].set(W_neigh1)

  x_pad = jnp.zeros((n_pad, D), f32).at[:N].set(x)
  src_flat = jnp.zeros((e_pad,), jnp.int32).at[:E].set(edge_index[0])
  dst_flat = jnp.full((e_pad,), N, jnp.int32).at[:E].set(edge_index[1])

  h0p = pl.pallas_call(
      _conv_body,
      grid=grid,
      in_specs=[pl.BlockSpec((BLK, D), lambda i: (i, 0)),
                _full((D, C1P)), _full((1, C1P))],
      out_specs=pl.BlockSpec((BLK, C1P), lambda i: (i, 0)),
      out_shape=jax.ShapeDtypeStruct((n_pad, C1P), jnp.bfloat16),
  )(x_pad, Wc, bc)

  src_t = _tile_indices(src_flat, 0, NCH, NCH, CH)
  dst_t = _tile_indices(dst_flat, N, NCH, NCH, CH)
  h0w = lax.bitcast_convert_type(h0p.reshape(n_pad, C1P // 2, 2), jnp.int32)
  agg1 = _make_aggregate_bf16(n_pad, C1P, NCH, 2, CH)(
      h0w, src_t, dst_t, jnp.zeros((n_pad, C1P), f32))

  h1, p2 = pl.pallas_call(
      _mid_body,
      grid=grid,
      in_specs=[pl.BlockSpec((BLK, C1P), lambda i: (i, 0)),
                pl.BlockSpec((1, BLK, C1P), lambda i: (0, i, 0)),
                pl.BlockSpec((1, BLK, C1P), lambda i: (1, i, 0)),
                _full((C1P, H)), _full((C1P, H)), _full((1, H)),
                _full((H, H2))],
      out_specs=[pl.BlockSpec((BLK, H), lambda i: (i, 0)),
                 pl.BlockSpec((BLK, H2), lambda i: (i, 0))],
      out_shape=[jax.ShapeDtypeStruct((n_pad, H), f32),
                 jax.ShapeDtypeStruct((n_pad, H2), jnp.bfloat16)],
  )(h0p, agg1, agg1, Ws1p, _perm_rows(Wn1p), b1.reshape(1, H), W_neigh2)

  p2w = lax.bitcast_convert_type(p2.reshape(n_pad, H2 // 2, 2), jnp.int32)
  ch2 = 64
  nch2 = e_pad // (NW * ch2)
  agg2 = _make_aggregate_bf16(n_pad, H2, nch2, 2, ch2)(
      p2w, src_t.reshape(NW, nch2, ch2), dst_t.reshape(NW, nch2, ch2),
      jnp.zeros((n_pad, H2), f32))

  H4 = W_fc1.shape[1]
  H8 = W_fc2.shape[1]
  out = pl.pallas_call(
      _head_body,
      grid=grid,
      in_specs=[pl.BlockSpec((BLK, H), lambda i: (i, 0)),
                pl.BlockSpec((1, BLK, C1P), lambda i: (0, i, 0)),
                pl.BlockSpec((1, BLK, C1P), lambda i: (1, i, 0)),
                pl.BlockSpec((1, BLK, H2), lambda i: (0, i, 0)),
                pl.BlockSpec((1, BLK, H2), lambda i: (1, i, 0)),
                _full((H, H2)), _full((1, H2)),
                _full((H2, H4)), _full((1, H4)),
                _full((H4, H8)), _full((1, H8)),
                _full((H8, 1)), _full((1, 1))],
      out_specs=pl.BlockSpec((BLK, 1), lambda i: (i, 0)),
      out_shape=jax.ShapeDtypeStruct((n_pad, 1), f32),
  )(h1, agg1, agg1, agg2, agg2, _perm_cols(W_self2),
    _perm_rows(b2[:, None]).reshape(1, H2), _perm_rows(W_fc1),
    b_fc1.reshape(1, H4), W_fc2, b_fc2.reshape(1, H8),
    W_fc3, b_fc3.reshape(1, 1))

  return out[:N]

# --- scband reference (transcript-rebuilt; emitter-appended) ---
"""Pipeline reference for scband-node-binary-classifier-34291018891343 (READ-ONLY COPY).

The authoritative reference and input builder live on the scoring server;
editing this copy changes nothing except your own understanding.
"""

import jax
import jax.numpy as jnp
from jax import lax
import numpy as np

N = 10000
E = 160000
D = 256          # input_dim
K = 10           # conv1d kernel
S = 8            # conv1d stride
C1 = (D - (K - 1) - 1) // S + 1  # 31, conv1d output size
H = 256          # hidden_dim
H2 = H // 2      # 128
H4 = H // 4      # 64
H8 = H // 8      # 32


def setup_inputs(seed: int = 0) -> dict:
    key = jax.random.key(seed)
    ks = jax.random.split(key, 20)
    x = jax.random.normal(ks[0], (N, D), dtype=jnp.float32)
    edge_index = jax.random.randint(ks[1], (2, E), 0, N, dtype=jnp.int32)
    sc = 0.05
    return {
        "x": x,
        "edge_index": edge_index,
        "conv1d_w": jax.random.normal(ks[2], (1, 1, K), jnp.float32) * sc,
        "conv1d_b": jax.random.normal(ks[3], (1,), jnp.float32) * sc,
        "W_self1": jax.random.normal(ks[4], (C1, H), jnp.float32) * sc,
        "W_neigh1": jax.random.normal(ks[5], (C1, H), jnp.float32) * sc,
        "b1": jax.random.normal(ks[6], (H,), jnp.float32) * sc,
        "W_self2": jax.random.normal(ks[7], (H, H2), jnp.float32) * sc,
        "W_neigh2": jax.random.normal(ks[8], (H, H2), jnp.float32) * sc,
        "b2": jax.random.normal(ks[9], (H2,), jnp.float32) * sc,
        "W_fc1": jax.random.normal(ks[10], (H2, H4), jnp.float32) * sc,
        "b_fc1": jax.random.normal(ks[11], (H4,), jnp.float32) * sc,
        "W_fc2": jax.random.normal(ks[12], (H4, H8), jnp.float32) * sc,
        "b_fc2": jax.random.normal(ks[13], (H8,), jnp.float32) * sc,
        "W_fc3": jax.random.normal(ks[14], (H8, 1), jnp.float32) * sc,
        "b_fc3": jax.random.normal(ks[15], (1,), jnp.float32) * sc,
    }


def _sage_mean(h, src, dst, W_self, W_neigh, b):
    # DGL SAGEConv, aggregator_type='mean':
    # h_neigh[dst] = mean over in-edges of h[src]; out = fc_self(h) + fc_neigh(h_neigh) + b
    msg = jnp.take(h, src, axis=0)                       # gather  [E, d]
    agg = jax.ops.segment_sum(msg, dst, num_segments=N)  # scatter-add [N, d]
    deg = jax.ops.segment_sum(jnp.ones((src.shape[0],), h.dtype), dst, num_segments=N)
    h_neigh = agg / jnp.maximum(deg, 1.0)[:, None]
    return h @ W_self + h_neigh @ W_neigh + b


def reference(x, edge_index, conv1d_w, conv1d_b, W_self1, W_neigh1, b1,
              W_self2, W_neigh2, b2, W_fc1, b_fc1, W_fc2, b_fc2, W_fc3, b_fc3):
    src = edge_index[0]
    dst = edge_index[1]
    # h = relu(conv1d(unsqueeze(h, 1))); squeeze
    h = x[:, None, :]                                    # [N, 1, D]
    h = lax.conv_general_dilated(h, conv1d_w, window_strides=(S,), padding='VALID',
                                 dimension_numbers=('NCH', 'OIH', 'NCH'))
    h = h + conv1d_b[None, :, None]
    h = jax.nn.relu(h)
    h = h[:, 0, :]                                       # [N, C1]
    # two SAGE layers (dropouts are identity at p=0 / eval)
    h = jax.nn.relu(_sage_mean(h, src, dst, W_self1, W_neigh1, b1))
    h = jax.nn.relu(_sage_mean(h, src, dst, W_self2, W_neigh2, b2))
    # MLP head
    h = jax.nn.relu(h @ W_fc1 + b_fc1)
    h = jax.nn.relu(h @ W_fc2 + b_fc2)
    h = h @ W_fc3 + b_fc3
    return h

if __name__ == "__main__":
    import jax
    _d = setup_inputs()
    print(jax.jit(kernel)(*tuple(_d.values())))

</pallas_src>

<mosaic_0001>
#map = affine_map<(d0, d1) -> (0, 0)>
#map1 = affine_map<(d0, d1) -> (0, 0, 0)>
module attributes {stable_mosaic.version = 14 : i64} {
  func.func @agg_kernel(%arg0: i32, %arg1: i32, %arg2: memref<10240x16xi32, #tpu.memory_space<hbm>>, %arg3: memref<32x40x128xi32, #tpu.memory_space<hbm>>, %arg4: memref<32x40x128xi32, #tpu.memory_space<hbm>>, %arg5: memref<10240x32xf32, #tpu.memory_space<hbm>>, %arg6: memref<2x10240x32xf32, #tpu.memory_space<hbm>>, %arg7: memref<40x128xi32, #tpu.memory_space<vmem>>, %arg8: memref<40x128xi32, #tpu.memory_space<vmem>>, %arg9: memref<2x128x16xi32, #tpu.memory_space<vmem>>, %arg10: memref<2x128x32xf32, #tpu.memory_space<vmem>>, %arg11: memref<10240x32xf32, #tpu.memory_space<vmem_shared>>, %arg12: memref<!tpu.dma_semaphore, #tpu.memory_space<semaphore_mem>>, %arg13: memref<!tpu.dma_semaphore, #tpu.memory_space<semaphore_mem>>) attributes {dimension_semantics = [#tpu.dimension_semantics<core_parallel>, #tpu.dimension_semantics<subcore_parallel>], iteration_bounds = array<i64: 2, 16>, scalar_prefetch = 0 : i64, scratch_operands = 7 : i64, tpu.core_type = #tpu.core_type<sc_vector_subcore>, window_params = [{transform_indices = #map}, {transform_indices = #map1}, {transform_indices = #map1}, {transform_indices = #map}, {transform_indices = #map1}]} {
    %mul3A = arith.constant 2 : i32
    %mul3A_0 = arith.muli %arg1, %mul3A : i32
    %add3A = arith.addi %mul3A_0, %arg0 : i32
    %mul3A_1 = arith.constant 640 : i32
    %mul3A_2 = arith.muli %arg1, %mul3A_1 : i32
    "tpu.region"() ({
      %run_scoped3A = tpu.sem_alloc : memref<!tpu.dma_semaphore, #tpu.memory_space<semaphore_mem>>
      %dma_start3A_32 = arith.constant 0 : i32
      %dma_start3A_33 = arith.constant 0 : i32
      %dma_start3A_34 = tpu.memref_slice %arg3[%add3A, %dma_start3A_32, %dma_start3A_33] : memref<32x40x128xi32, #tpu.memory_space<hbm>> -> memref<1x40x128xi32, #tpu.memory_space<hbm>>
      %dma_start3A_35 = tpu.memref_squeeze %dma_start3A_34 : memref<1x40x128xi32, #tpu.memory_space<hbm>> -> memref<40x128xi32, #tpu.memory_space<hbm>>
      %dma_start3A_36 = arith.constant 0 : i32
      %dma_start3A_37 = arith.constant 0 : i32
      %dma_start3A_38 = tpu.memref_slice %arg3[%add3A, %dma_start3A_36, %dma_start3A_37] : memref<32x40x128xi32, #tpu.memory_space<hbm>> -> memref<1x40x128xi32, #tpu.memory_space<hbm>>
      %dma_start3A_39 = tpu.memref_squeeze %dma_start3A_38 : memref<1x40x128xi32, #tpu.memory_space<hbm>> -> memref<40x128xi32, #tpu.memory_space<hbm>>
      tpu.enqueue_dma source(%dma_start3A_39 : memref<40x128xi32, #tpu.memory_space<hbm>>) target(%arg7 : memref<40x128xi32, #tpu.memory_space<vmem>>) target_semaphore(%run_scoped3A : memref<!tpu.dma_semaphore, #tpu.memory_space<semaphore_mem>>)
      %dma_wait3A = arith.constant 0 : i32
      %dma_wait3A_40 = arith.constant 0 : i32
      %dma_wait3A_41 = tpu.memref_slice %arg3[%add3A, %dma_wait3A, %dma_wait3A_40] : memref<32x40x128xi32, #tpu.memory_space<hbm>> -> memref<1x40x128xi32, #tpu.memory_space<hbm>>
      %dma_wait3A_42 = tpu.memref_squeeze %dma_wait3A_41 : memref<1x40x128xi32, #tpu.memory_space<hbm>> -> memref<40x128xi32, #tpu.memory_space<hbm>>
      %dma_wait3A_43 = arith.constant 0 : i32
      %dma_wait3A_44 = arith.constant 0 : i32
      %dma_wait3A_45 = tpu.memref_slice %arg3[%add3A, %dma_wait3A_43, %dma_wait3A_44] : memref<32x40x128xi32, #tpu.memory_space<hbm>> -> memref<1x40x128xi32, #tpu.memory_space<hbm>>
      %dma_wait3A_46 = tpu.memref_squeeze %dma_wait3A_45 : memref<1x40x128xi32, #tpu.memory_space<hbm>> -> memref<40x128xi32, #tpu.memory_space<hbm>>
      tpu.wait_dma2 semaphore(%run_scoped3A : memref<!tpu.dma_semaphore, #tpu.memory_space<semaphore_mem>>) src(%dma_wait3A_46 : memref<40x128xi32, #tpu.memory_space<hbm>>) dst(%arg7 : memref<40x128xi32, #tpu.memory_space<vmem>>)
      tpu.yield
    }) : () -> ()
    "tpu.region"() ({
      %run_scoped3A = tpu.sem_alloc : memref<!tpu.dma_semaphore, #tpu.memory_space<semaphore_mem>>
      %dma_start3A_32 = arith.constant 0 : i32
      %dma_start3A_33 = arith.constant 0 : i32
      %dma_start3A_34 = tpu.memref_slice %arg4[%add3A, %dma_start3A_32, %dma_start3A_33] : memref<32x40x128xi32, #tpu.memory_space<hbm>> -> memref<1x40x128xi32, #tpu.memory_space<hbm>>
      %dma_start3A_35 = tpu.memref_squeeze %dma_start3A_34 : memref<1x40x128xi32, #tpu.memory_space<hbm>> -> memref<40x128xi32, #tpu.memory_space<hbm>>
      %dma_start3A_36 = arith.constant 0 : i32
      %dma_start3A_37 = arith.constant 0 : i32
      %dma_start3A_38 = tpu.memref_slice %arg4[%add3A, %dma_start3A_36, %dma_start3A_37] : memref<32x40x128xi32, #tpu.memory_space<hbm>> -> memref<1x40x128xi32, #tpu.memory_space<hbm>>
      %dma_start3A_39 = tpu.memref_squeeze %dma_start3A_38 : memref<1x40x128xi32, #tpu.memory_space<hbm>> -> memref<40x128xi32, #tpu.memory_space<hbm>>
      tpu.enqueue_dma source(%dma_start3A_39 : memref<40x128xi32, #tpu.memory_space<hbm>>) target(%arg8 : memref<40x128xi32, #tpu.memory_space<vmem>>) target_semaphore(%run_scoped3A : memref<!tpu.dma_semaphore, #tpu.memory_space<semaphore_mem>>)
      %dma_wait3A = arith.constant 0 : i32
      %dma_wait3A_40 = arith.constant 0 : i32
      %dma_wait3A_41 = tpu.memref_slice %arg4[%add3A, %dma_wait3A, %dma_wait3A_40] : memref<32x40x128xi32, #tpu.memory_space<hbm>> -> memref<1x40x128xi32, #tpu.memory_space<hbm>>
      %dma_wait3A_42 = tpu.memref_squeeze %dma_wait3A_41 : memref<1x40x128xi32, #tpu.memory_space<hbm>> -> memref<40x128xi32, #tpu.memory_space<hbm>>
      %dma_wait3A_43 = arith.constant 0 : i32
      %dma_wait3A_44 = arith.constant 0 : i32
      %dma_wait3A_45 = tpu.memref_slice %arg4[%add3A, %dma_wait3A_43, %dma_wait3A_44] : memref<32x40x128xi32, #tpu.memory_space<hbm>> -> memref<1x40x128xi32, #tpu.memory_space<hbm>>
      %dma_wait3A_46 = tpu.memref_squeeze %dma_wait3A_45 : memref<1x40x128xi32, #tpu.memory_space<hbm>> -> memref<40x128xi32, #tpu.memory_space<hbm>>
      tpu.wait_dma2 semaphore(%run_scoped3A : memref<!tpu.dma_semaphore, #tpu.memory_space<semaphore_mem>>) src(%dma_wait3A_46 : memref<40x128xi32, #tpu.memory_space<hbm>>) dst(%arg8 : memref<40x128xi32, #tpu.memory_space<vmem>>)
      tpu.yield
    }) : () -> ()
    "tpu.region"() ({
      %run_scoped3A = tpu.sem_alloc : memref<!tpu.dma_semaphore, #tpu.memory_space<semaphore_mem>>
      %dma_start3A_32 = arith.constant 0 : i32
      %dma_start3A_33 = tpu.memref_slice %arg11[%mul3A_2, %dma_start3A_32] : memref<10240x32xf32, #tpu.memory_space<vmem_shared>> -> memref<640x32xf32, #tpu.memory_space<vmem_shared>>
      %dma_start3A_34 = arith.constant 0 : i32
      %dma_start3A_35 = tpu.memref_slice %arg5[%mul3A_2, %dma_start3A_34] : memref<10240x32xf32, #tpu.memory_space<hbm>> -> memref<640x32xf32, #tpu.memory_space<hbm>>
      tpu.enqueue_dma source(%dma_start3A_35 : memref<640x32xf32, #tpu.memory_space<hbm>>) target(%dma_start3A_33 : memref<640x32xf32, #tpu.memory_space<vmem_shared>>) target_semaphore(%run_scoped3A : memref<!tpu.dma_semaphore, #tpu.memory_space<semaphore_mem>>)
      %dma_wait3A = arith.constant 0 : i32
      %dma_wait3A_36 = tpu.memref_slice %arg11[%mul3A_2, %dma_wait3A] : memref<10240x32xf32, #tpu.memory_space<vmem_shared>> -> memref<640x32xf32, #tpu.memory_space<vmem_shared>>
      %dma_wait3A_37 = arith.constant 0 : i32
      %dma_wait3A_38 = tpu.memref_slice %arg5[%mul3A_2, %dma_wait3A_37] : memref<10240x32xf32, #tpu.memory_space<hbm>> -> memref<640x32xf32, #tpu.memory_space<hbm>>
      tpu.wait_dma2 semaphore(%run_scoped3A : memref<!tpu.dma_semaphore, #tpu.memory_space<semaphore_mem>>) src(%dma_wait3A_38 : memref<640x32xf32, #tpu.memory_space<hbm>>) dst(%dma_wait3A_36 : memref<640x32xf32, #tpu.memory_space<vmem_shared>>)
      tpu.yield
    }) : () -> ()
    %barrier3A = arith.constant 0 : index
    tpu.barrier barrier_id(%barrier3A)
    %dma_start3A = arith.constant 0 : i32
    %dma_start3A_3 = arith.constant 0 : i32
    %dma_start3A_4 = arith.constant 0 : i32
    %dma_start3A_5 = arith.constant 0 : i32
    %dma_start3A_6 = tpu.memref_slice %arg9[%dma_start3A_3, %dma_start3A_4, %dma_start3A_5] : memref<2x128x16xi32, #tpu.memory_space<vmem>> -> memref<1x128x16xi32, #tpu.memory_space<vmem>>
    %dma_start3A_7 = tpu.memref_squeeze %dma_start3A_6 : memref<1x128x16xi32, #tpu.memory_space<vmem>> -> memref<128x16xi32, #tpu.memory_space<vmem>>
    %dma_start3A_8 = arith.constant 0 : i32
    %dma_start3A_9 = tpu.memref_slice %arg7[%dma_start3A, %dma_start3A_8] : memref<40x128xi32, #tpu.memory_space<vmem>> -> memref<1x128xi32, #tpu.memory_space<vmem>>
    %dma_start3A_10 = tpu.memref_squeeze %dma_start3A_9 : memref<1x128xi32, #tpu.memory_space<vmem>> -> memref<128xi32, #tpu.memory_space<vmem>>
    %dma_start3A_11 = arith.constant 0 : i32
    %dma_start3A_12 = arith.constant 0 : i32
    %dma_start3A_13 = tpu.memref_slice %arg2[%dma_start3A_11, %dma_start3A_12] : memref<10240x16xi32, #tpu.memory_space<hbm>> -> memref<10240x16xi32, #tpu.memory_space<hbm>>
    tpu.enqueue_indirect_dma source(%dma_start3A_13 : memref<10240x16xi32, #tpu.memory_space<hbm>>) target(%dma_start3A_7 : memref<128x16xi32, #tpu.memory_space<vmem>>) offsets(%dma_start3A_10 : memref<128xi32, #tpu.memory_space<vmem>>) semaphore(%arg12 : memref<!tpu.dma_semaphore, #tpu.memory_space<semaphore_mem>>)
    %dma_start3A_14 = arith.constant 1 : i32
    %dma_start3A_15 = arith.constant 1 : i32
    %dma_start3A_16 = arith.constant 0 : i32
    %dma_start3A_17 = arith.constant 0 : i32
    %dma_start3A_18 = tpu.memref_slice %arg9[%dma_start3A_15, %dma_start3A_16, %dma_start3A_17] : memref<2x128x16xi32, #tpu.memory_space<vmem>> -> memref<1x128x16xi32, #tpu.memory_space<vmem>>
    %dma_start3A_19 = tpu.memref_squeeze %dma_start3A_18 : memref<1x128x16xi32, #tpu.memory_space<vmem>> -> memref<128x16xi32, #tpu.memory_space<vmem>>
    %dma_start3A_20 = arith.constant 0 : i32
    %dma_start3A_21 = tpu.memref_slice %arg7[%dma_start3A_14, %dma_start3A_20] : memref<40x128xi32, #tpu.memory_space<vmem>> -> memref<1x128xi32, #tpu.memory_space<vmem>>
    %dma_start3A_22 = tpu.memref_squeeze %dma_start3A_21 : memref<1x128xi32, #tpu.memory_space<vmem>> -> memref<128xi32, #tpu.memory_space<vmem>>
    %dma_start3A_23 = arith.constant 0 : i32
    %dma_start3A_24 = arith.constant 0 : i32
    %dma_start3A_25 = tpu.memref_slice %arg2[%dma_start3A_23, %dma_start3A_24] : memref<10240x16xi32, #tpu.memory_space<hbm>> -> memref<10240x16xi32, #tpu.memory_space<hbm>>
    tpu.enqueue_indirect_dma source(%dma_start3A_25 : memref<10240x16xi32, #tpu.memory_space<hbm>>) target(%dma_start3A_19 : memref<128x16xi32, #tpu.memory_space<vmem>>) offsets(%dma_start3A_22 : memref<128xi32, #tpu.memory_space<vmem>>) semaphore(%arg13 : memref<!tpu.dma_semaphore, #tpu.memory_space<semaphore_mem>>)
    %scan3A = arith.constant 0 : i32
    %scan3A_26 = arith.constant 0 : i32
    %scan3A_27 = arith.constant 20 : i32
    %scan3A_28 = arith.addi %scan3A_26, %scan3A_27 : i32
    %scan3A_29 = arith.constant 1 : i32
    scf.for %scan3A_32 = %scan3A_26 to %scan3A_28 step %scan3A_29  : i32 {
      %mul3A_33 = arith.constant 2 : i32
      %mul3A_34 = arith.muli %scan3A_32, %mul3A_33 : i32
      %add3A_35 = arith.constant 0 : i32
      %add3A_36 = arith.addi %mul3A_34, %add3A_35 : i32
      %dma_wait3A = arith.constant 0 : i32
      %dma_wait3A_37 = arith.constant 0 : i32
      %dma_wait3A_38 = arith.constant 0 : i32
      %dma_wait3A_39 = tpu.memref_slice %arg9[%dma_wait3A, %dma_wait3A_37, %dma_wait3A_38] : memref<2x128x16xi32, #tpu.memory_space<vmem>> -> memref<1x128x16xi32, #tpu.memory_space<vmem>>
      %dma_wait3A_40 = tpu.memref_squeeze %dma_wait3A_39 : memref<1x128x16xi32, #tpu.memory_space<vmem>> -> memref<128x16xi32, #tpu.memory_space<vmem>>
      %dma_wait3A_41 = arith.constant 0 : i32
      %dma_wait3A_42 = tpu.memref_slice %arg7[%add3A_36, %dma_wait3A_41] : memref<40x128xi32, #tpu.memory_space<vmem>> -> memref<1x128xi32, #tpu.memory_space<vmem>>
      %dma_wait3A_43 = tpu.memref_squeeze %dma_wait3A_42 : memref<1x128xi32, #tpu.memory_space<vmem>> -> memref<128xi32, #tpu.memory_space<vmem>>
      %dma_wait3A_44 = arith.constant 0 : i32
      %dma_wait3A_45 = arith.constant 0 : i32
      %dma_wait3A_46 = tpu.memref_slice %arg2[%dma_wait3A_44, %dma_wait3A_45] : memref<10240x16xi32, #tpu.memory_space<hbm>> -> memref<10240x16xi32, #tpu.memory_space<hbm>>
      tpu.wait_indirect_dma semaphore(%arg12 : memref<!tpu.dma_semaphore, #tpu.memory_space<semaphore_mem>>) src(%dma_wait3A_46 : memref<10240x16xi32, #tpu.memory_space<hbm>>) dst(%dma_wait3A_40 : memref<128x16xi32, #tpu.memory_space<vmem>>)
      %scan3A_47 = arith.constant 0 : i32
      %scan3A_48 = arith.constant 0 : i32
      %scan3A_49 = arith.constant 128 : i32
      %scan3A_50 = arith.addi %scan3A_48, %scan3A_49 : i32
      %scan3A_51 = arith.constant 1 : i32
      scf.for %scan3A_84 = %scan3A_48 to %scan3A_50 step %scan3A_51  : i32 {
        %get3A = arith.constant 0 : i32
        %get3A_85 = arith.index_cast %get3A : i32 to index
        %get3A_86 = arith.index_cast %scan3A_84 : i32 to index
        %get3A_87 = arith.constant 0 : index
        %get3A_88 = tpu.vector_load %arg9[%get3A_85, %get3A_86, %get3A_87] {strides = array<i32>} : memref<2x128x16xi32, #tpu.memory_space<vmem>>, vector<16xi32>,
        %shift_left3A = arith.constant 16 : i32
        %shift_left3A_89 = vector.broadcast %shift_left3A : i32 to vector<16xi32>
        %shift_left3A_90 = arith.shli %get3A_88, %shift_left3A_89 : vector<16xi32>
        %bitcast3A = vector.bitcast %shift_left3A_90 : vector<16xi32> to vector<16xf32>
        %swap3A = arith.constant 0 : i32
        %swap3A_91 = arith.index_cast %swap3A : i32 to index
        %swap3A_92 = arith.index_cast %scan3A_84 : i32 to index
        %swap3A_93 = arith.constant 0 : index
        %swap3A_94 = tpu.vector_load %arg10[%swap3A_91, %swap3A_92, %swap3A_93] {strides = array<i32>} : memref<2x128x32xf32, #tpu.memory_space<vmem>>, vector<16xf32>,
        tpu.vector_store %arg10[%swap3A_91, %swap3A_92, %swap3A_93], %bitcast3A {strides = array<i32>} : memref<2x128x32xf32, #tpu.memory_space<vmem>>, vector<16xf32>,
        %and3A = arith.constant -65536 : i32
        %and3A_95 = vector.broadcast %and3A : i32 to vector<16xi32>
        %and3A_96 = arith.andi %get3A_88, %and3A_95 : vector<16xi32>
        %bitcast3A_97 = vector.bitcast %and3A_96 : vector<16xi32> to vector<16xf32>
        %swap3A_98 = arith.constant 0 : i32
        %swap3A_99 = arith.index_cast %swap3A_98 : i32 to index
        %swap3A_100 = arith.index_cast %scan3A_84 : i32 to index
        %swap3A_101 = arith.constant 16 : index
        %swap3A_102 = tpu.vector_load %arg10[%swap3A_99, %swap3A_100, %swap3A_101] {strides = array<i32>} : memref<2x128x32xf32, #tpu.memory_space<vmem>>, vector<16xf32>,
        tpu.vector_store %arg10[%swap3A_99, %swap3A_100, %swap3A_101], %bitcast3A_97 {strides = array<i32>} : memref<2x128x32xf32, #tpu.memory_space<vmem>>, vector<16xf32>,
      }
      %scan3A_52 = arith.constant 128 : i32
      %add3A_53 = arith.constant 2 : i32
      %add3A_54 = arith.addi %add3A_36, %add3A_53 : i32
      %lt3A = arith.constant 40 : i32
      %lt3A_55 = arith.cmpi slt, %add3A_54, %lt3A : i32
      %convert_element_type3A = arith.extui %lt3A_55 : i1 to i32
      %cond3A = arith.constant 0 : i32
      %cond3A_56 = arith.cmpi ne, %convert_element_type3A, %cond3A : i32
      scf.if %cond3A_56 {
        %dma_start3A_84 = arith.constant 0 : i32
        %dma_start3A_85 = arith.constant 0 : i32
        %dma_start3A_86 = arith.constant 0 : i32
        %dma_start3A_87 = tpu.memref_slice %arg9[%dma_start3A_84, %dma_start3A_85, %dma_start3A_86] : memref<2x128x16xi32, #tpu.memory_space<vmem>> -> memref<1x128x16xi32, #tpu.memory_space<vmem>>
        %dma_start3A_88 = tpu.memref_squeeze %dma_start3A_87 : memref<1x128x16xi32, #tpu.memory_space<vmem>> -> memref<128x16xi32, #tpu.memory_space<vmem>>
        %dma_start3A_89 = arith.constant 0 : i32
        %dma_start3A_90 = tpu.memref_slice %arg7[%add3A_54, %dma_start3A_89] : memref<40x128xi32, #tpu.memory_space<vmem>> -> memref<1x128xi32, #tpu.memory_space<vmem>>
        %dma_start3A_91 = tpu.memref_squeeze %dma_start3A_90 : memref<1x128xi32, #tpu.memory_space<vmem>> -> memref<128xi32, #tpu.memory_space<vmem>>
        %dma_start3A_92 = arith.constant 0 : i32
        %dma_start3A_93 = arith.constant 0 : i32
        %dma_start3A_94 = tpu.memref_slice %arg2[%dma_start3A_92, %dma_start3A_93] : memref<10240x16xi32, #tpu.memory_space<hbm>> -> memref<10240x16xi32, #tpu.memory_space<hbm>>
        tpu.enqueue_indirect_dma source(%dma_start3A_94 : memref<10240x16xi32, #tpu.memory_space<hbm>>) target(%dma_start3A_88 : memref<128x16xi32, #tpu.memory_space<vmem>>) offsets(%dma_start3A_91 : memref<128xi32, #tpu.memory_space<vmem>>) semaphore(%arg12 : memref<!tpu.dma_semaphore, #tpu.memory_space<semaphore_mem>>)
      } else {
      }
      %run_scoped3A = arith.constant 0 : i32
      "tpu.region"() ({
        %run_scoped3A_84 = tpu.sem_alloc : memref<!tpu.dma_semaphore, #tpu.memory_space<semaphore_mem>>
        %dma_start3A_85 = arith.constant 0 : i32
        %dma_start3A_86 = arith.constant 0 : i32
        %dma_start3A_87 = tpu.memref_slice %arg10[%run_scoped3A, %dma_start3A_85, %dma_start3A_86] : memref<2x128x32xf32, #tpu.memory_space<vmem>> -> memref<1x128x32xf32, #tpu.memory_space<vmem>>
        %dma_start3A_88 = tpu.memref_squeeze %dma_start3A_87 : memref<1x128x32xf32, #tpu.memory_space<vmem>> -> memref<128x32xf32, #tpu.memory_space<vmem>>
        %dma_start3A_89 = arith.constant 0 : i32
        %dma_start3A_90 = tpu.memref_slice %arg8[%add3A_36, %dma_start3A_89] : memref<40x128xi32, #tpu.memory_space<vmem>> -> memref<1x128xi32, #tpu.memory_space<vmem>>
        %dma_start3A_91 = tpu.memref_squeeze %dma_start3A_90 : memref<1x128xi32, #tpu.memory_space<vmem>> -> memref<128xi32, #tpu.memory_space<vmem>>
        %dma_start3A_92 = arith.constant 0 : i32
        %dma_start3A_93 = arith.constant 0 : i32
        %dma_start3A_94 = tpu.memref_slice %arg11[%dma_start3A_92, %dma_start3A_93] : memref<10240x32xf32, #tpu.memory_space<vmem_shared>> -> memref<10240x32xf32, #tpu.memory_space<vmem_shared>>
        tpu.enqueue_indirect_dma source(%dma_start3A_88 : memref<128x32xf32, #tpu.memory_space<vmem>>) target(%dma_start3A_94 : memref<10240x32xf32, #tpu.memory_space<vmem_shared>>) offsets(%dma_start3A_91 : memref<128xi32, #tpu.memory_space<vmem>>) semaphore(%run_scoped3A_84 : memref<!tpu.dma_semaphore, #tpu.memory_space<semaphore_mem>>) {add = true}
        %dma_wait3A_95 = arith.constant 0 : i32
        %dma_wait3A_96 = arith.constant 0 : i32
        %dma_wait3A_97 = tpu.memref_slice %arg10[%run_scoped3A, %dma_wait3A_95, %dma_wait3A_96] : memref<2x128x32xf32, #tpu.memory_space<vmem>> -> memref<1x128x32xf32, #tpu.memory_space<vmem>>
        %dma_wait3A_98 = tpu.memref_squeeze %dma_wait3A_97 : memref<1x128x32xf32, #tpu.memory_space<vmem>> -> memref<128x32xf32, #tpu.memory_space<vmem>>
        %dma_wait3A_99 = arith.constant 0 : i32
        %dma_wait3A_100 = tpu.memref_slice %arg8[%add3A_36, %dma_wait3A_99] : memref<40x128xi32, #tpu.memory_space<vmem>> -> memref<1x128xi32, #tpu.memory_space<vmem>>
        %dma_wait3A_101 = tpu.memref_squeeze %dma_wait3A_100 : memref<1x128xi32, #tpu.memory_space<vmem>> -> memref<128xi32, #tpu.memory_space<vmem>>
        %dma_wait3A_102 = arith.constant 0 : i32
        %dma_wait3A_103 = arith.constant 0 : i32
        %dma_wait3A_104 = tpu.memref_slice %arg11[%dma_wait3A_102, %dma_wait3A_103] : memref<10240x32xf32, #tpu.memory_space<vmem_shared>> -> memref<10240x32xf32, #tpu.memory_space<vmem_shared>>
        tpu.wait_indirect_dma semaphore(%run_scoped3A_84 : memref<!tpu.dma_semaphore, #tpu.memory_space<semaphore_mem>>) src(%dma_wait3A_98 : memref<128x32xf32, #tpu.memory_space<vmem>>) dst(%dma_wait3A_104 : memref<10240x32xf32, #tpu.memory_space<vmem_shared>>)
        tpu.yield
      }) : () -> ()
      %add3A_57 = arith.constant 1 : i32
      %add3A_58 = arith.addi %mul3A_34, %add3A_57 : i32
      %dma_wait3A_59 = arith.constant 1 : i32
      %dma_wait3A_60 = arith.constant 0 : i32
      %dma_wait3A_61 = arith.constant 0 : i32
      %dma_wait3A_62 = tpu.memref_slice %arg9[%dma_wait3A_59, %dma_wait3A_60, %dma_wait3A_61] : memref<2x128x16xi32, #tpu.memory_space<vmem>> -> memref<1x128x16xi32, #tpu.memory_space<vmem>>
      %dma_wait3A_63 = tpu.memref_squeeze %dma_wait3A_62 : memref<1x128x16xi32, #tpu.memory_space<vmem>> -> memref<128x16xi32, #tpu.memory_space<vmem>>
      %dma_wait3A_64 = arith.constant 0 : i32
      %dma_wait3A_65 = tpu.memref_slice %arg7[%add3A_58, %dma_wait3A_64] : memref<40x128xi32, #tpu.memory_space<vmem>> -> memref<1x128xi32, #tpu.memory_space<vmem>>
      %dma_wait3A_66 = tpu.memref_squeeze %dma_wait3A_65 : memref<1x128xi32, #tpu.memory_space<vmem>> -> memref<128xi32, #tpu.memory_space<vmem>>
      %dma_wait3A_67 = arith.constant 0 : i32
      %dma_wait3A_68 = arith.constant 0 : i32
      %dma_wait3A_69 = tpu.memref_slice %arg2[%dma_wait3A_67, %dma_wait3A_68] : memref<10240x16xi32, #tpu.memory_space<hbm>> -> memref<10240x16xi32, #tpu.memory_space<hbm>>
      tpu.wait_indirect_dma semaphore(%arg13 : memref<!tpu.dma_semaphore, #tpu.memory_space<semaphore_mem>>) src(%dma_wait3A_69 : memref<10240x16xi32, #tpu.memory_space<hbm>>) dst(%dma_wait3A_63 : memref<128x16xi32, #tpu.memory_space<vmem>>)
      %scan3A_70 = arith.constant 0 : i32
      %scan3A_71 = arith.constant 0 : i32
      %scan3A_72 = arith.constant 128 : i32
      %scan3A_73 = arith.addi %scan3A_71, %scan3A_72 : i32
      %scan3A_74 = arith.constant 1 : i32
      scf.for %scan3A_84 = %scan3A_71 to %scan3A_73 step %scan3A_74  : i32 {
        %get3A = arith.constant 1 : i32
        %get3A_85 = arith.index_cast %get3A : i32 to index
        %get3A_86 = arith.index_cast %scan3A_84 : i32 to index
        %get3A_87 = arith.constant 0 : index
        %get3A_88 = tpu.vector_load %arg9[%get3A_85, %get3A_86, %get3A_87] {strides = array<i32>} : memref<2x128x16xi32, #tpu.memory_space<vmem>>, vector<16xi32>,
        %shift_left3A = arith.constant 16 : i32
        %shift_left3A_89 = vector.broadcast %shift_left3A : i32 to vector<16xi32>
        %shift_left3A_90 = arith.shli %get3A_88, %shift_left3A_89 : vector<16xi32>
        %bitcast3A = vector.bitcast %shift_left3A_90 : vector<16xi32> to vector<16xf32>
        %swap3A = arith.constant 1 : i32
        %swap3A_91 = arith.index_cast %swap3A : i32 to index
        %swap3A_92 = arith.index_cast %scan3A_84 : i32 to index
        %swap3A_93 = arith.constant 0 : index
        %swap3A_94 = tpu.vector_load %arg10[%swap3A_91, %swap3A_92, %swap3A_93] {strides = array<i32>} : memref<2x128x32xf32, #tpu.memory_space<vmem>>, vector<16xf32>,
        tpu.vector_store %arg10[%swap3A_91, %swap3A_92, %swap3A_93], %bitcast3A {strides = array<i32>} : memref<2x128x32xf32, #tpu.memory_space<vmem>>, vector<16xf32>,
        %and3A = arith.constant -65536 : i32
        %and3A_95 = vector.broadcast %and3A : i32 to vector<16xi32>
        %and3A_96 = arith.andi %get3A_88, %and3A_95 : vector<16xi32>
        %bitcast3A_97 = vector.bitcast %and3A_96 : vector<16xi32> to vector<16xf32>
        %swap3A_98 = arith.constant 1 : i32
        %swap3A_99 = arith.index_cast %swap3A_98 : i32 to index
        %swap3A_100 = arith.index_cast %scan3A_84 : i32 to index
        %swap3A_101 = arith.constant 16 : index
        %swap3A_102 = tpu.vector_load %arg10[%swap3A_99, %swap3A_100, %swap3A_101] {strides = array<i32>} : memref<2x128x32xf32, #tpu.memory_space<vmem>>, vector<16xf32>,
        tpu.vector_store %arg10[%swap3A_99, %swap3A_100, %swap3A_101], %bitcast3A_97 {strides = array<i32>} : memref<2x128x32xf32, #tpu.memory_space<vmem>>, vector<16xf32>,
      }
      %scan3A_75 = arith.constant 128 : i32
      %add3A_76 = arith.constant 2 : i32
      %add3A_77 = arith.addi %add3A_58, %add3A_76 : i32
      %lt3A_78 = arith.constant 40 : i32
      %lt3A_79 = arith.cmpi slt, %add3A_77, %lt3A_78 : i32
      %convert_element_type3A_80 = arith.extui %lt3A_79 : i1 to i32
      %cond3A_81 = arith.constant 0 : i32
      %cond3A_82 = arith.cmpi ne, %convert_element_type3A_80, %cond3A_81 : i32
      scf.if %cond3A_82 {
        %dma_start3A_84 = arith.constant 1 : i32
        %dma_start3A_85 = arith.constant 0 : i32
        %dma_start3A_86 = arith.constant 0 : i32
        %dma_start3A_87 = tpu.memref_slice %arg9[%dma_start3A_84, %dma_start3A_85, %dma_start3A_86] : memref<2x128x16xi32, #tpu.memory_space<vmem>> -> memref<1x128x16xi32, #tpu.memory_space<vmem>>
        %dma_start3A_88 = tpu.memref_squeeze %dma_start3A_87 : memref<1x128x16xi32, #tpu.memory_space<vmem>> -> memref<128x16xi32, #tpu.memory_space<vmem>>
        %dma_start3A_89 = arith.constant 0 : i32
        %dma_start3A_90 = tpu.memref_slice %arg7[%add3A_77, %dma_start3A_89] : memref<40x128xi32, #tpu.memory_space<vmem>> -> memref<1x128xi32, #tpu.memory_space<vmem>>
        %dma_start3A_91 = tpu.memref_squeeze %dma_start3A_90 : memref<1x128xi32, #tpu.memory_space<vmem>> -> memref<128xi32, #tpu.memory_space<vmem>>
        %dma_start3A_92 = arith.constant 0 : i32
        %dma_start3A_93 = arith.constant 0 : i32
        %dma_start3A_94 = tpu.memref_slice %arg2[%dma_start3A_92, %dma_start3A_93] : memref<10240x16xi32, #tpu.memory_space<hbm>> -> memref<10240x16xi32, #tpu.memory_space<hbm>>
        tpu.enqueue_indirect_dma source(%dma_start3A_94 : memref<10240x16xi32, #tpu.memory_space<hbm>>) target(%dma_start3A_88 : memref<128x16xi32, #tpu.memory_space<vmem>>) offsets(%dma_start3A_91 : memref<128xi32, #tpu.memory_space<vmem>>) semaphore(%arg13 : memref<!tpu.dma_semaphore, #tpu.memory_space<semaphore_mem>>)
      } else {
      }
      %run_scoped3A_83 = arith.constant 1 : i32
      "tpu.region"() ({
        %run_scoped3A_84 = tpu.sem_alloc : memref<!tpu.dma_semaphore, #tpu.memory_space<semaphore_mem>>
        %dma_start3A_85 = arith.constant 0 : i32
        %dma_start3A_86 = arith.constant 0 : i32
        %dma_start3A_87 = tpu.memref_slice %arg10[%run_scoped3A_83, %dma_start3A_85, %dma_start3A_86] : memref<2x128x32xf32, #tpu.memory_space<vmem>> -> memref<1x128x32xf32, #tpu.memory_space<vmem>>
        %dma_start3A_88 = tpu.memref_squeeze %dma_start3A_87 : memref<1x128x32xf32, #tpu.memory_space<vmem>> -> memref<128x32xf32, #tpu.memory_space<vmem>>
        %dma_start3A_89 = arith.constant 0 : i32
        %dma_start3A_90 = tpu.memref_slice %arg8[%add3A_58, %dma_start3A_89] : memref<40x128xi32, #tpu.memory_space<vmem>> -> memref<1x128xi32, #tpu.memory_space<vmem>>
        %dma_start3A_91 = tpu.memref_squeeze %dma_start3A_90 : memref<1x128xi32, #tpu.memory_space<vmem>> -> memref<128xi32, #tpu.memory_space<vmem>>
        %dma_start3A_92 = arith.constant 0 : i32
        %dma_start3A_93 = arith.constant 0 : i32
        %dma_start3A_94 = tpu.memref_slice %arg11[%dma_start3A_92, %dma_start3A_93] : memref<10240x32xf32, #tpu.memory_space<vmem_shared>> -> memref<10240x32xf32, #tpu.memory_space<vmem_shared>>
        tpu.enqueue_indirect_dma source(%dma_start3A_88 : memref<128x32xf32, #tpu.memory_space<vmem>>) target(%dma_start3A_94 : memref<10240x32xf32, #tpu.memory_space<vmem_shared>>) offsets(%dma_start3A_91 : memref<128xi32, #tpu.memory_space<vmem>>) semaphore(%run_scoped3A_84 : memref<!tpu.dma_semaphore, #tpu.memory_space<semaphore_mem>>) {add = true}
        %dma_wait3A_95 = arith.constant 0 : i32
        %dma_wait3A_96 = arith.constant 0 : i32
        %dma_wait3A_97 = tpu.memref_slice %arg10[%run_scoped3A_83, %dma_wait3A_95, %dma_wait3A_96] : memref<2x128x32xf32, #tpu.memory_space<vmem>> -> memref<1x128x32xf32, #tpu.memory_space<vmem>>
        %dma_wait3A_98 = tpu.memref_squeeze %dma_wait3A_97 : memref<1x128x32xf32, #tpu.memory_space<vmem>> -> memref<128x32xf32, #tpu.memory_space<vmem>>
        %dma_wait3A_99 = arith.constant 0 : i32
        %dma_wait3A_100 = tpu.memref_slice %arg8[%add3A_58, %dma_wait3A_99] : memref<40x128xi32, #tpu.memory_space<vmem>> -> memref<1x128xi32, #tpu.memory_space<vmem>>
        %dma_wait3A_101 = tpu.memref_squeeze %dma_wait3A_100 : memref<1x128xi32, #tpu.memory_space<vmem>> -> memref<128xi32, #tpu.memory_space<vmem>>
        %dma_wait3A_102 = arith.constant 0 : i32
        %dma_wait3A_103 = arith.constant 0 : i32
        %dma_wait3A_104 = tpu.memref_slice %arg11[%dma_wait3A_102, %dma_wait3A_103] : memref<10240x32xf32, #tpu.memory_space<vmem_shared>> -> memref<10240x32xf32, #tpu.memory_space<vmem_shared>>
        tpu.wait_indirect_dma semaphore(%run_scoped3A_84 : memref<!tpu.dma_semaphore, #tpu.memory_space<semaphore_mem>>) src(%dma_wait3A_98 : memref<128x32xf32, #tpu.memory_space<vmem>>) dst(%dma_wait3A_104 : memref<10240x32xf32, #tpu.memory_space<vmem_shared>>)
        tpu.yield
      }) : () -> ()
    }
    %scan3A_30 = arith.constant 20 : i32
    %barrier3A_31 = arith.constant 0 : index
    tpu.barrier barrier_id(%barrier3A_31)
    "tpu.region"() ({
      %run_scoped3A = tpu.sem_alloc : memref<!tpu.dma_semaphore, #tpu.memory_space<semaphore_mem>>
      %dma_start3A_32 = arith.constant 0 : i32
      %dma_start3A_33 = tpu.memref_slice %arg6[%arg0, %mul3A_2, %dma_start3A_32] : memref<2x10240x32xf32, #tpu.memory_space<hbm>> -> memref<1x640x32xf32, #tpu.memory_space<hbm>>
      %dma_start3A_34 = tpu.memref_squeeze %dma_start3A_33 : memref<1x640x32xf32, #tpu.memory_space<hbm>> -> memref<640x32xf32, #tpu.memory_space<hbm>>
      %dma_start3A_35 = arith.constant 0 : i32
      %dma_start3A_36 = tpu.memref_slice %arg11[%mul3A_2, %dma_start3A_35] : memref<10240x32xf32, #tpu.memory_space<vmem_shared>> -> memref<640x32xf32, #tpu.memory_space<vmem_shared>>
      tpu.enqueue_dma source(%dma_start3A_36 : memref<640x32xf32, #tpu.memory_space<vmem_shared>>) target(%dma_start3A_34 : memref<640x32xf32, #tpu.memory_space<hbm>>) target_semaphore(%run_scoped3A : memref<!tpu.dma_semaphore, #tpu.memory_space<semaphore_mem>>)
      %dma_wait3A = arith.constant 0 : i32
      %dma_wait3A_37 = tpu.memref_slice %arg6[%arg0, %mul3A_2, %dma_wait3A] : memref<2x10240x32xf32, #tpu.memory_space<hbm>> -> memref<1x640x32xf32, #tpu.memory_space<hbm>>
      %dma_wait3A_38 = tpu.memref_squeeze %dma_wait3A_37 : memref<1x640x32xf32, #tpu.memory_space<hbm>> -> memref<640x32xf32, #tpu.memory_space<hbm>>
      %dma_wait3A_39 = arith.constant 0 : i32
      %dma_wait3A_40 = tpu.memref_slice %arg11[%mul3A_2, %dma_wait3A_39] : memref<10240x32xf32, #tpu.memory_space<vmem_shared>> -> memref<640x32xf32, #tpu.memory_space<vmem_shared>>
      tpu.wait_dma2 semaphore(%run_scoped3A : memref<!tpu.dma_semaphore, #tpu.memory_space<semaphore_mem>>) src(%dma_wait3A_40 : memref<640x32xf32, #tpu.memory_space<vmem_shared>>) dst(%dma_wait3A_38 : memref<640x32xf32, #tpu.memory_space<hbm>>)
      tpu.yield
    }) : () -> ()
    return
  }
}

#map = affine_map<(d0, d1) -> (0, 0)>
#map1 = affine_map<(d0, d1) -> (0, 0, 0)>
module attributes {stable_mosaic.version = 14 : i64} {
  func.func @agg_kernel(%arg0: i32, %arg1: i32, %arg2: memref<10240x64xi32, #tpu.memory_space<hbm>>, %arg3: memref<32x80x64xi32, #tpu.memory_space<hbm>>, %arg4: memref<32x80x64xi32, #tpu.memory_space<hbm>>, %arg5: memref<10240x128xf32, #tpu.memory_space<hbm>>, %arg6: memref<2x10240x128xf32, #tpu.memory_space<hbm>>, %arg7: memref<80x64xi32, #tpu.memory_space<vmem>>, %arg8: memref<80x64xi32, #tpu.memory_space<vmem>>, %arg9: memref<2x64x64xi32, #tpu.memory_space<vmem>>, %arg10: memref<2x64x128xf32, #tpu.memory_space<vmem>>, %arg11: memref<10240x128xf32, #tpu.memory_space<vmem_shared>>, %arg12: memref<!tpu.dma_semaphore, #tpu.memory_space<semaphore_mem>>, %arg13: memref<!tpu.dma_semaphore, #tpu.memory_space<semaphore_mem>>) attributes {dimension_semantics = [#tpu.dimension_semantics<core_parallel>, #tpu.dimension_semantics<subcore_parallel>], iteration_bounds = array<i64: 2, 16>, scalar_prefetch = 0 : i64, scratch_operands = 7 : i64, tpu.core_type = #tpu.core_type<sc_vector_subcore>, window_params = [{transform_indices = #map}, {transform_indices = #map1}, {transform_indices = #map1}, {transform_indices = #map}, {transform_indices = #map1}]} {
    %mul3A = arith.constant 2 : i32
    %mul3A_0 = arith.muli %arg1, %mul3A : i32
    %add3A = arith.addi %mul3A_0, %arg0 : i32
    %mul3A_1 = arith.constant 640 : i32
    %mul3A_2 = arith.muli %arg1, %mul3A_1 : i32
    "tpu.region"() ({
      %run_scoped3A = tpu.sem_alloc : memref<!tpu.dma_semaphore, #tpu.memory_space<semaphore_mem>>
      %dma_start3A_32 = arith.constant 0 : i32
      %dma_start3A_33 = arith.constant 0 : i32
      %dma_start3A_34 = tpu.memref_slice %arg3[%add3A, %dma_start3A_32, %dma_start3A_33] : memref<32x80x64xi32, #tpu.memory_space<hbm>> -> memref<1x80x64xi32, #tpu.memory_space<hbm>>
      %dma_start3A_35 = tpu.memref_squeeze %dma_start3A_34 : memref<1x80x64xi32, #tpu.memory_space<hbm>> -> memref<80x64xi32, #tpu.memory_space<hbm>>
      %dma_start3A_36 = arith.constant 0 : i32
      %dma_start3A_37 = arith.constant 0 : i32
      %dma_start3A_38 = tpu.memref_slice %arg3[%add3A, %dma_start3A_36, %dma_start3A_37] : memref<32x80x64xi32, #tpu.memory_space<hbm>> -> memref<1x80x64xi32, #tpu.memory_space<hbm>>
      %dma_start3A_39 = tpu.memref_squeeze %dma_start3A_38 : memref<1x80x64xi32, #tpu.memory_space<hbm>> -> memref<80x64xi32, #tpu.memory_space<hbm>>
      tpu.enqueue_dma source(%dma_start3A_39 : memref<80x64xi32, #tpu.memory_space<hbm>>) target(%arg7 : memref<80x64xi32, #tpu.memory_space<vmem>>) target_semaphore(%run_scoped3A : memref<!tpu.dma_semaphore, #tpu.memory_space<semaphore_mem>>)
      %dma_wait3A = arith.constant 0 : i32
      %dma_wait3A_40 = arith.constant 0 : i32
      %dma_wait3A_41 = tpu.memref_slice %arg3[%add3A, %dma_wait3A, %dma_wait3A_40] : memref<32x80x64xi32, #tpu.memory_space<hbm>> -> memref<1x80x64xi32, #tpu.memory_space<hbm>>
      %dma_wait3A_42 = tpu.memref_squeeze %dma_wait3A_41 : memref<1x80x64xi32, #tpu.memory_space<hbm>> -> memref<80x64xi32, #tpu.memory_space<hbm>>
      %dma_wait3A_43 = arith.constant 0 : i32
      %dma_wait3A_44 = arith.constant 0 : i32
      %dma_wait3A_45 = tpu.memref_slice %arg3[%add3A, %dma_wait3A_43, %dma_wait3A_44] : memref<32x80x64xi32, #tpu.memory_space<hbm>> -> memref<1x80x64xi32, #tpu.memory_space<hbm>>
      %dma_wait3A_46 = tpu.memref_squeeze %dma_wait3A_45 : memref<1x80x64xi32, #tpu.memory_space<hbm>> -> memref<80x64xi32, #tpu.memory_space<hbm>>
      tpu.wait_dma2 semaphore(%run_scoped3A : memref<!tpu.dma_semaphore, #tpu.memory_space<semaphore_mem>>) src(%dma_wait3A_46 : memref<80x64xi32, #tpu.memory_space<hbm>>) dst(%arg7 : memref<80x64xi32, #tpu.memory_space<vmem>>)
      tpu.yield
    }) : () -> ()
    "tpu.region"() ({
      %run_scoped3A = tpu.sem_alloc : memref<!tpu.dma_semaphore, #tpu.memory_space<semaphore_mem>>
      %dma_start3A_32 = arith.constant 0 : i32
      %dma_start3A_33 = arith.constant 0 : i32
      %dma_start3A_34 = tpu.memref_slice %arg4[%add3A, %dma_start3A_32, %dma_start3A_33] : memref<32x80x64xi32, #tpu.memory_space<hbm>> -> memref<1x80x64xi32, #tpu.memory_space<hbm>>
      %dma_start3A_35 = tpu.memref_squeeze %dma_start3A_34 : memref<1x80x64xi32, #tpu.memory_space<hbm>> -> memref<80x64xi32, #tpu.memory_space<hbm>>
      %dma_start3A_36 = arith.constant 0 : i32
      %dma_start3A_37 = arith.constant 0 : i32
      %dma_start3A_38 = tpu.memref_slice %arg4[%add3A, %dma_start3A_36, %dma_start3A_37] : memref<32x80x64xi32, #tpu.memory_space<hbm>> -> memref<1x80x64xi32, #tpu.memory_space<hbm>>
      %dma_start3A_39 = tpu.memref_squeeze %dma_start3A_38 : memref<1x80x64xi32, #tpu.memory_space<hbm>> -> memref<80x64xi32, #tpu.memory_space<hbm>>
      tpu.enqueue_dma source(%dma_start3A_39 : memref<80x64xi32, #tpu.memory_space<hbm>>) target(%arg8 : memref<80x64xi32, #tpu.memory_space<vmem>>) target_semaphore(%run_scoped3A : memref<!tpu.dma_semaphore, #tpu.memory_space<semaphore_mem>>)
      %dma_wait3A = arith.constant 0 : i32
      %dma_wait3A_40 = arith.constant 0 : i32
      %dma_wait3A_41 = tpu.memref_slice %arg4[%add3A, %dma_wait3A, %dma_wait3A_40] : memref<32x80x64xi32, #tpu.memory_space<hbm>> -> memref<1x80x64xi32, #tpu.memory_space<hbm>>
      %dma_wait3A_42 = tpu.memref_squeeze %dma_wait3A_41 : memref<1x80x64xi32, #tpu.memory_space<hbm>> -> memref<80x64xi32, #tpu.memory_space<hbm>>
      %dma_wait3A_43 = arith.constant 0 : i32
      %dma_wait3A_44 = arith.constant 0 : i32
      %dma_wait3A_45 = tpu.memref_slice %arg4[%add3A, %dma_wait3A_43, %dma_wait3A_44] : memref<32x80x64xi32, #tpu.memory_space<hbm>> -> memref<1x80x64xi32, #tpu.memory_space<hbm>>
      %dma_wait3A_46 = tpu.memref_squeeze %dma_wait3A_45 : memref<1x80x64xi32, #tpu.memory_space<hbm>> -> memref<80x64xi32, #tpu.memory_space<hbm>>
      tpu.wait_dma2 semaphore(%run_scoped3A : memref<!tpu.dma_semaphore, #tpu.memory_space<semaphore_mem>>) src(%dma_wait3A_46 : memref<80x64xi32, #tpu.memory_space<hbm>>) dst(%arg8 : memref<80x64xi32, #tpu.memory_space<vmem>>)
      tpu.yield
    }) : () -> ()
    "tpu.region"() ({
      %run_scoped3A = tpu.sem_alloc : memref<!tpu.dma_semaphore, #tpu.memory_space<semaphore_mem>>
      %dma_start3A_32 = arith.constant 0 : i32
      %dma_start3A_33 = tpu.memref_slice %arg11[%mul3A_2, %dma_start3A_32] : memref<10240x128xf32, #tpu.memory_space<vmem_shared>> -> memref<640x128xf32, #tpu.memory_space<vmem_shared>>
      %dma_start3A_34 = arith.constant 0 : i32
      %dma_start3A_35 = tpu.memref_slice %arg5[%mul3A_2, %dma_start3A_34] : memref<10240x128xf32, #tpu.memory_space<hbm>> -> memref<640x128xf32, #tpu.memory_space<hbm>>
      tpu.enqueue_dma source(%dma_start3A_35 : memref<640x128xf32, #tpu.memory_space<hbm>>) target(%dma_start3A_33 : memref<640x128xf32, #tpu.memory_space<vmem_shared>>) target_semaphore(%run_scoped3A : memref<!tpu.dma_semaphore, #tpu.memory_space<semaphore_mem>>)
      %dma_wait3A = arith.constant 0 : i32
      %dma_wait3A_36 = tpu.memref_slice %arg11[%mul3A_2, %dma_wait3A] : memref<10240x128xf32, #tpu.memory_space<vmem_shared>> -> memref<640x128xf32, #tpu.memory_space<vmem_shared>>
      %dma_wait3A_37 = arith.constant 0 : i32
      %dma_wait3A_38 = tpu.memref_slice %arg5[%mul3A_2, %dma_wait3A_37] : memref<10240x128xf32, #tpu.memory_space<hbm>> -> memref<640x128xf32, #tpu.memory_space<hbm>>
      tpu.wait_dma2 semaphore(%run_scoped3A : memref<!tpu.dma_semaphore, #tpu.memory_space<semaphore_mem>>) src(%dma_wait3A_38 : memref<640x128xf32, #tpu.memory_space<hbm>>) dst(%dma_wait3A_36 : memref<640x128xf32, #tpu.memory_space<vmem_shared>>)
      tpu.yield
    }) : () -> ()
    %barrier3A = arith.constant 0 : index
    tpu.barrier barrier_id(%barrier3A)
    %dma_start3A = arith.constant 0 : i32
    %dma_start3A_3 = arith.constant 0 : i32
    %dma_start3A_4 = arith.constant 0 : i32
    %dma_start3A_5 = arith.constant 0 : i32
    %dma_start3A_6 = tpu.memref_slice %arg9[%dma_start3A_3, %dma_start3A_4, %dma_start3A_5] : memref<2x64x64xi32, #tpu.memory_space<vmem>> -> memref<1x64x64xi32, #tpu.memory_space<vmem>>
    %dma_start3A_7 = tpu.memref_squeeze %dma_start3A_6 : memref<1x64x64xi32, #tpu.memory_space<vmem>> -> memref<64x64xi32, #tpu.memory_space<vmem>>
    %dma_start3A_8 = arith.constant 0 : i32
    %dma_start3A_9 = tpu.memref_slice %arg7[%dma_start3A, %dma_start3A_8] : memref<80x64xi32, #tpu.memory_space<vmem>> -> memref<1x64xi32, #tpu.memory_space<vmem>>
    %dma_start3A_10 = tpu.memref_squeeze %dma_start3A_9 : memref<1x64xi32, #tpu.memory_space<vmem>> -> memref<64xi32, #tpu.memory_space<vmem>>
    %dma_start3A_11 = arith.constant 0 : i32
    %dma_start3A_12 = arith.constant 0 : i32
    %dma_start3A_13 = tpu.memref_slice %arg2[%dma_start3A_11, %dma_start3A_12] : memref<10240x64xi32, #tpu.memory_space<hbm>> -> memref<10240x64xi32, #tpu.memory_space<hbm>>
    tpu.enqueue_indirect_dma source(%dma_start3A_13 : memref<10240x64xi32, #tpu.memory_space<hbm>>) target(%dma_start3A_7 : memref<64x64xi32, #tpu.memory_space<vmem>>) offsets(%dma_start3A_10 : memref<64xi32, #tpu.memory_space<vmem>>) semaphore(%arg12 : memref<!tpu.dma_semaphore, #tpu.memory_space<semaphore_mem>>)
    %dma_start3A_14 = arith.constant 1 : i32
    %dma_start3A_15 = arith.constant 1 : i32
    %dma_start3A_16 = arith.constant 0 : i32
    %dma_start3A_17 = arith.constant 0 : i32
    %dma_start3A_18 = tpu.memref_slice %arg9[%dma_start3A_15, %dma_start3A_16, %dma_start3A_17] : memref<2x64x64xi32, #tpu.memory_space<vmem>> -> memref<1x64x64xi32, #tpu.memory_space<vmem>>
    %dma_start3A_19 = tpu.memref_squeeze %dma_start3A_18 : memref<1x64x64xi32, #tpu.memory_space<vmem>> -> memref<64x64xi32, #tpu.memory_space<vmem>>
    %dma_start3A_20 = arith.constant 0 : i32
    %dma_start3A_21 = tpu.memref_slice %arg7[%dma_start3A_14, %dma_start3A_20] : memref<80x64xi32, #tpu.memory_space<vmem>> -> memref<1x64xi32, #tpu.memory_space<vmem>>
    %dma_start3A_22 = tpu.memref_squeeze %dma_start3A_21 : memref<1x64xi32, #tpu.memory_space<vmem>> -> memref<64xi32, #tpu.memory_space<vmem>>
    %dma_start3A_23 = arith.constant 0 : i32
    %dma_start3A_24 = arith.constant 0 : i32
    %dma_start3A_25 = tpu.memref_slice %arg2[%dma_start3A_23, %dma_start3A_24] : memref<10240x64xi32, #tpu.memory_space<hbm>> -> memref<10240x64xi32, #tpu.memory_space<hbm>>
    tpu.enqueue_indirect_dma source(%dma_start3A_25 : memref<10240x64xi32, #tpu.memory_space<hbm>>) target(%dma_start3A_19 : memref<64x64xi32, #tpu.memory_space<vmem>>) offsets(%dma_start3A_22 : memref<64xi32, #tpu.memory_space<vmem>>) semaphore(%arg13 : memref<!tpu.dma_semaphore, #tpu.memory_space<semaphore_mem>>)
    %scan3A = arith.constant 0 : i32
    %scan3A_26 = arith.constant 0 : i32
    %scan3A_27 = arith.constant 40 : i32
    %scan3A_28 = arith.addi %scan3A_26, %scan3A_27 : i32
    %scan3A_29 = arith.constant 1 : i32
    scf.for %scan3A_32 = %scan3A_26 to %scan3A_28 step %scan3A_29  : i32 {
      %mul3A_33 = arith.constant 2 : i32
      %mul3A_34 = arith.muli %scan3A_32, %mul3A_33 : i32
      %add3A_35 = arith.constant 0 : i32
      %add3A_36 = arith.addi %mul3A_34, %add3A_35 : i32
      %dma_wait3A = arith.constant 0 : i32
      %dma_wait3A_37 = arith.constant 0 : i32
      %dma_wait3A_38 = arith.constant 0 : i32
      %dma_wait3A_39 = tpu.memref_slice %arg9[%dma_wait3A, %dma_wait3A_37, %dma_wait3A_38] : memref<2x64x64xi32, #tpu.memory_space<vmem>> -> memref<1x64x64xi32, #tpu.memory_space<vmem>>
      %dma_wait3A_40 = tpu.memref_squeeze %dma_wait3A_39 : memref<1x64x64xi32, #tpu.memory_space<vmem>> -> memref<64x64xi32, #tpu.memory_space<vmem>>
      %dma_wait3A_41 = arith.constant 0 : i32
      %dma_wait3A_42 = tpu.memref_slice %arg7[%add3A_36, %dma_wait3A_41] : memref<80x64xi32, #tpu.memory_space<vmem>> -> memref<1x64xi32, #tpu.memory_space<vmem>>
      %dma_wait3A_43 = tpu.memref_squeeze %dma_wait3A_42 : memref<1x64xi32, #tpu.memory_space<vmem>> -> memref<64xi32, #tpu.memory_space<vmem>>
      %dma_wait3A_44 = arith.constant 0 : i32
      %dma_wait3A_45 = arith.constant 0 : i32
      %dma_wait3A_46 = tpu.memref_slice %arg2[%dma_wait3A_44, %dma_wait3A_45] : memref<10240x64xi32, #tpu.memory_space<hbm>> -> memref<10240x64xi32, #tpu.memory_space<hbm>>
      tpu.wait_indirect_dma semaphore(%arg12 : memref<!tpu.dma_semaphore, #tpu.memory_space<semaphore_mem>>) src(%dma_wait3A_46 : memref<10240x64xi32, #tpu.memory_space<hbm>>) dst(%dma_wait3A_40 : memref<64x64xi32, #tpu.memory_space<vmem>>)
      %scan3A_47 = arith.constant 0 : i32
      %scan3A_48 = arith.constant 0 : i32
      %scan3A_49 = arith.constant 64 : i32
      %scan3A_50 = arith.addi %scan3A_48, %scan3A_49 : i32
      %scan3A_51 = arith.constant 1 : i32
      scf.for %scan3A_84 = %scan3A_48 to %scan3A_50 step %scan3A_51  : i32 {
        %get3A = arith.constant 0 : i32
        %get3A_85 = arith.index_cast %get3A : i32 to index
        %get3A_86 = arith.index_cast %scan3A_84 : i32 to index
        %get3A_87 = arith.constant 0 : index
        %get3A_88 = tpu.vector_load %arg9[%get3A_85, %get3A_86, %get3A_87] {strides = array<i32>} : memref<2x64x64xi32, #tpu.memory_space<vmem>>, vector<16xi32>,
        %shift_left3A = arith.constant 16 : i32
        %shift_left3A_89 = vector.broadcast %shift_left3A : i32 to vector<16xi32>
        %shift_left3A_90 = arith.shli %get3A_88, %shift_left3A_89 : vector<16xi32>
        %bitcast3A = vector.bitcast %shift_left3A_90 : vector<16xi32> to vector<16xf32>
        %swap3A = arith.constant 0 : i32
        %swap3A_91 = arith.index_cast %swap3A : i32 to index
        %swap3A_92 = arith.index_cast %scan3A_84 : i32 to index
        %swap3A_93 = arith.constant 0 : index
        %swap3A_94 = tpu.vector_load %arg10[%swap3A_91, %swap3A_92, %swap3A_93] {strides = array<i32>} : memref<2x64x128xf32, #tpu.memory_space<vmem>>, vector<16xf32>,
        tpu.vector_store %arg10[%swap3A_91, %swap3A_92, %swap3A_93], %bitcast3A {strides = array<i32>} : memref<2x64x128xf32, #tpu.memory_space<vmem>>, vector<16xf32>,
        %and3A = arith.constant -65536 : i32
        %and3A_95 = vector.broadcast %and3A : i32 to vector<16xi32>
        %and3A_96 = arith.andi %get3A_88, %and3A_95 : vector<16xi32>
        %bitcast3A_97 = vector.bitcast %and3A_96 : vector<16xi32> to vector<16xf32>
        %swap3A_98 = arith.constant 0 : i32
        %swap3A_99 = arith.index_cast %swap3A_98 : i32 to index
        %swap3A_100 = arith.index_cast %scan3A_84 : i32 to index
        %swap3A_101 = arith.constant 16 : index
        %swap3A_102 = tpu.vector_load %arg10[%swap3A_99, %swap3A_100, %swap3A_101] {strides = array<i32>} : memref<2x64x128xf32, #tpu.memory_space<vmem>>, vector<16xf32>,
        tpu.vector_store %arg10[%swap3A_99, %swap3A_100, %swap3A_101], %bitcast3A_97 {strides = array<i32>} : memref<2x64x128xf32, #tpu.memory_space<vmem>>, vector<16xf32>,
        %get3A_103 = arith.constant 0 : i32
        %get3A_104 = arith.index_cast %get3A_103 : i32 to index
        %get3A_105 = arith.index_cast %scan3A_84 : i32 to index
        %get3A_106 = arith.constant 16 : index
        %get3A_107 = tpu.vector_load %arg9[%get3A_104, %get3A_105, %get3A_106] {strides = array<i32>} : memref<2x64x64xi32, #tpu.memory_space<vmem>>, vector<16xi32>,
        %shift_left3A_108 = arith.constant 16 : i32
        %shift_left3A_109 = vector.broadcast %shift_left3A_108 : i32 to vector<16xi32>
        %shift_left3A_110 = arith.shli %get3A_107, %shift_left3A_109 : vector<16xi32>
        %bitcast3A_111 = vector.bitcast %shift_left3A_110 : vector<16xi32> to vector<16xf32>
        %swap3A_112 = arith.constant 0 : i32
        %swap3A_113 = arith.index_cast %swap3A_112 : i32 to index
        %swap3A_114 = arith.index_cast %scan3A_84 : i32 to index
        %swap3A_115 = arith.constant 32 : index
        %swap3A_116 = tpu.vector_load %arg10[%swap3A_113, %swap3A_114, %swap3A_115] {strides = array<i32>} : memref<2x64x128xf32, #tpu.memory_space<vmem>>, vector<16xf32>,
        tpu.vector_store %arg10[%swap3A_113, %swap3A_114, %swap3A_115], %bitcast3A_111 {strides = array<i32>} : memref<2x64x128xf32, #tpu.memory_space<vmem>>, vector<16xf32>,
        %and3A_117 = arith.constant -65536 : i32
        %and3A_118 = vector.broadcast %and3A_117 : i32 to vector<16xi32>
        %and3A_119 = arith.andi %get3A_107, %and3A_118 : vector<16xi32>
        %bitcast3A_120 = vector.bitcast %and3A_119 : vector<16xi32> to vector<16xf32>
        %swap3A_121 = arith.constant 0 : i32
        %swap3A_122 = arith.index_cast %swap3A_121 : i32 to index
        %swap3A_123 = arith.index_cast %scan3A_84 : i32 to index
        %swap3A_124 = arith.constant 48 : index
        %swap3A_125 = tpu.vector_load %arg10[%swap3A_122, %swap3A_123, %swap3A_124] {strides = array<i32>} : memref<2x64x128xf32, #tpu.memory_space<vmem>>, vector<16xf32>,
        tpu.vector_store %arg10[%swap3A_122, %swap3A_123, %swap3A_124], %bitcast3A_120 {strides = array<i32>} : memref<2x64x128xf32, #tpu.memory_space<vmem>>, vector<16xf32>,
        %get3A_126 = arith.constant 0 : i32
        %get3A_127 = arith.index_cast %get3A_126 : i32 to index
        %get3A_128 = arith.index_cast %scan3A_84 : i32 to index
        %get3A_129 = arith.constant 32 : index
        %get3A_130 = tpu.vector_load %arg9[%get3A_127, %get3A_128, %get3A_129] {strides = array<i32>} : memref<2x64x64xi32, #tpu.memory_space<vmem>>, vector<16xi32>,
        %shift_left3A_131 = arith.constant 16 : i32
        %shift_left3A_132 = vector.broadcast %shift_left3A_131 : i32 to vector<16xi32>
        %shift_left3A_133 = arith.shli %get3A_130, %shift_left3A_132 : vector<16xi32>
        %bitcast3A_134 = vector.bitcast %shift_left3A_133 : vector<16xi32> to vector<16xf32>
        %swap3A_135 = arith.constant 0 : i32
        %swap3A_136 = arith.index_cast %swap3A_135 : i32 to index
        %swap3A_137 = arith.index_cast %scan3A_84 : i32 to index
        %swap3A_138 = arith.constant 64 : index
        %swap3A_139 = tpu.vector_load %arg10[%swap3A_136, %swap3A_137, %swap3A_138] {strides = array<i32>} : memref<2x64x128xf32, #tpu.memory_space<vmem>>, vector<16xf32>,
        tpu.vector_store %arg10[%swap3A_136, %swap3A_137, %swap3A_138], %bitcast3A_134 {strides = array<i32>} : memref<2x64x128xf32, #tpu.memory_space<vmem>>, vector<16xf32>,
        %and3A_140 = arith.constant -65536 : i32
        %and3A_141 = vector.broadcast %and3A_140 : i32 to vector<16xi32>
        %and3A_142 = arith.andi %get3A_130, %and3A_141 : vector<16xi32>
        %bitcast3A_143 = vector.bitcast %and3A_142 : vector<16xi32> to vector<16xf32>
        %swap3A_144 = arith.constant 0 : i32
        %swap3A_145 = arith.index_cast %swap3A_144 : i32 to index
        %swap3A_146 = arith.index_cast %scan3A_84 : i32 to index
        %swap3A_147 = arith.constant 80 : index
        %swap3A_148 = tpu.vector_load %arg10[%swap3A_145, %swap3A_146, %swap3A_147] {strides = array<i32>} : memref<2x64x128xf32, #tpu.memory_space<vmem>>, vector<16xf32>,
        tpu.vector_store %arg10[%swap3A_145, %swap3A_146, %swap3A_147], %bitcast3A_143 {strides = array<i32>} : memref<2x64x128xf32, #tpu.memory_space<vmem>>, vector<16xf32>,
        %get3A_149 = arith.constant 0 : i32
        %get3A_150 = arith.index_cast %get3A_149 : i32 to index
        %get3A_151 = arith.index_cast %scan3A_84 : i32 to index
        %get3A_152 = arith.constant 48 : index
        %get3A_153 = tpu.vector_load %arg9[%get3A_150, %get3A_151, %get3A_152] {strides = array<i32>} : memref<2x64x64xi32, #tpu.memory_space<vmem>>, vector<16xi32>,
        %shift_left3A_154 = arith.constant 16 : i32
        %shift_left3A_155 = vector.broadcast %shift_left3A_154 : i32 to vector<16xi32>
        %shift_left3A_156 = arith.shli %get3A_153, %shift_left3A_155 : vector<16xi32>
        %bitcast3A_157 = vector.bitcast %shift_left3A_156 : vector<16xi32> to vector<16xf32>
        %swap3A_158 = arith.constant 0 : i32
        %swap3A_159 = arith.index_cast %swap3A_158 : i32 to index
        %swap3A_160 = arith.index_cast %scan3A_84 : i32 to index
        %swap3A_161 = arith.constant 96 : index
        %swap3A_162 = tpu.vector_load %arg10[%swap3A_159, %swap3A_160, %swap3A_161] {strides = array<i32>} : memref<2x64x128xf32, #tpu.memory_space<vmem>>, vector<16xf32>,
        tpu.vector_store %arg10[%swap3A_159, %swap3A_160, %swap3A_161], %bitcast3A_157 {strides = array<i32>} : memref<2x64x128xf32, #tpu.memory_space<vmem>>, vector<16xf32>,
        %and3A_163 = arith.constant -65536 : i32
        %and3A_164 = vector.broadcast %and3A_163 : i32 to vector<16xi32>
        %and3A_165 = arith.andi %get3A_153, %and3A_164 : vector<16xi32>
        %bitcast3A_166 = vector.bitcast %and3A_165 : vector<16xi32> to vector<16xf32>
        %swap3A_167 = arith.constant 0 : i32
        %swap3A_168 = arith.index_cast %swap3A_167 : i32 to index
        %swap3A_169 = arith.index_cast %scan3A_84 : i32 to index
        %swap3A_170 = arith.constant 112 : index
        %swap3A_171 = tpu.vector_load %arg10[%swap3A_168, %swap3A_169, %swap3A_170] {strides = array<i32>} : memref<2x64x128xf32, #tpu.memory_space<vmem>>, vector<16xf32>,
        tpu.vector_store %arg10[%swap3A_168, %swap3A_169, %swap3A_170], %bitcast3A_166 {strides = array<i32>} : memref<2x64x128xf32, #tpu.memory_space<vmem>>, vector<16xf32>,
      }
      %scan3A_52 = arith.constant 64 : i32
      %add3A_53 = arith.constant 2 : i32
      %add3A_54 = arith.addi %add3A_36, %add3A_53 : i32
      %lt3A = arith.constant 80 : i32
      %lt3A_55 = arith.cmpi slt, %add3A_54, %lt3A : i32
      %convert_element_type3A = arith.extui %lt3A_55 : i1 to i32
      %cond3A = arith.constant 0 : i32
      %cond3A_56 = arith.cmpi ne, %convert_element_type3A, %cond3A : i32
      scf.if %cond3A_56 {
        %dma_start3A_84 = arith.constant 0 : i32
        %dma_start3A_85 = arith.constant 0 : i32
        %dma_start3A_86 = arith.constant 0 : i32
        %dma_start3A_87 = tpu.memref_slice %arg9[%dma_start3A_84, %dma_start3A_85, %dma_start3A_86] : memref<2x64x64xi32, #tpu.memory_space<vmem>> -> memref<1x64x64xi32, #tpu.memory_space<vmem>>
        %dma_start3A_88 = tpu.memref_squeeze %dma_start3A_87 : memref<1x64x64xi32, #tpu.memory_space<vmem>> -> memref<64x64xi32, #tpu.memory_space<vmem>>
        %dma_start3A_89 = arith.constant 0 : i32
        %dma_start3A_90 = tpu.memref_slice %arg7[%add3A_54, %dma_start3A_89] : memref<80x64xi32, #tpu.memory_space<vmem>> -> memref<1x64xi32, #tpu.memory_space<vmem>>
        %dma_start3A_91 = tpu.memref_squeeze %dma_start3A_90 : memref<1x64xi32, #tpu.memory_space<vmem>> -> memref<64xi32, #tpu.memory_space<vmem>>
        %dma_start3A_92 = arith.constant 0 : i32
        %dma_start3A_93 = arith.constant 0 : i32
        %dma_start3A_94 = tpu.memref_slice %arg2[%dma_start3A_92, %dma_start3A_93] : memref<10240x64xi32, #tpu.memory_space<hbm>> -> memref<10240x64xi32, #tpu.memory_space<hbm>>
        tpu.enqueue_indirect_dma source(%dma_start3A_94 : memref<10240x64xi32, #tpu.memory_space<hbm>>) target(%dma_start3A_88 : memref<64x64xi32, #tpu.memory_space<vmem>>) offsets(%dma_start3A_91 : memref<64xi32, #tpu.memory_space<vmem>>) semaphore(%arg12 : memref<!tpu.dma_semaphore, #tpu.memory_space<semaphore_mem>>)
      } else {
      }
      %run_scoped3A = arith.constant 0 : i32
      "tpu.region"() ({
        %run_scoped3A_84 = tpu.sem_alloc : memref<!tpu.dma_semaphore, #tpu.memory_space<semaphore_mem>>
        %dma_start3A_85 = arith.constant 0 : i32
        %dma_start3A_86 = arith.constant 0 : i32
        %dma_start3A_87 = tpu.memref_slice %arg10[%run_scoped3A, %dma_start3A_85, %dma_start3A_86] : memref<2x64x128xf32, #tpu.memory_space<vmem>> -> memref<1x64x128xf32, #tpu.memory_space<vmem>>
        %dma_start3A_88 = tpu.memref_squeeze %dma_start3A_87 : memref<1x64x128xf32, #tpu.memory_space<vmem>> -> memref<64x128xf32, #tpu.memory_space<vmem>>
        %dma_start3A_89 = arith.constant 0 : i32
        %dma_start3A_90 = tpu.memref_slice %arg8[%add3A_36, %dma_start3A_89] : memref<80x64xi32, #tpu.memory_space<vmem>> -> memref<1x64xi32, #tpu.memory_space<vmem>>
        %dma_start3A_91 = tpu.memref_squeeze %dma_start3A_90 : memref<1x64xi32, #tpu.memory_space<vmem>> -> memref<64xi32, #tpu.memory_space<vmem>>
        %dma_start3A_92 = arith.constant 0 : i32
        %dma_start3A_93 = arith.constant 0 : i32
        %dma_start3A_94 = tpu.memref_slice %arg11[%dma_start3A_92, %dma_start3A_93] : memref<10240x128xf32, #tpu.memory_space<vmem_shared>> -> memref<10240x128xf32, #tpu.memory_space<vmem_shared>>
        tpu.enqueue_indirect_dma source(%dma_start3A_88 : memref<64x128xf32, #tpu.memory_space<vmem>>) target(%dma_start3A_94 : memref<10240x128xf32, #tpu.memory_space<vmem_shared>>) offsets(%dma_start3A_91 : memref<64xi32, #tpu.memory_space<vmem>>) semaphore(%run_scoped3A_84 : memref<!tpu.dma_semaphore, #tpu.memory_space<semaphore_mem>>) {add = true}
        %dma_wait3A_95 = arith.constant 0 : i32
        %dma_wait3A_96 = arith.constant 0 : i32
        %dma_wait3A_97 = tpu.memref_slice %arg10[%run_scoped3A, %dma_wait3A_95, %dma_wait3A_96] : memref<2x64x128xf32, #tpu.memory_space<vmem>> -> memref<1x64x128xf32, #tpu.memory_space<vmem>>
        %dma_wait3A_98 = tpu.memref_squeeze %dma_wait3A_97 : memref<1x64x128xf32, #tpu.memory_space<vmem>> -> memref<64x128xf32, #tpu.memory_space<vmem>>
        %dma_wait3A_99 = arith.constant 0 : i32
        %dma_wait3A_100 = tpu.memref_slice %arg8[%add3A_36, %dma_wait3A_99] : memref<80x64xi32, #tpu.memory_space<vmem>> -> memref<1x64xi32, #tpu.memory_space<vmem>>
        %dma_wait3A_101 = tpu.memref_squeeze %dma_wait3A_100 : memref<1x64xi32, #tpu.memory_space<vmem>> -> memref<64xi32, #tpu.memory_space<vmem>>
        %dma_wait3A_102 = arith.constant 0 : i32
        %dma_wait3A_103 = arith.constant 0 : i32
        %dma_wait3A_104 = tpu.memref_slice %arg11[%dma_wait3A_102, %dma_wait3A_103] : memref<10240x128xf32, #tpu.memory_space<vmem_shared>> -> memref<10240x128xf32, #tpu.memory_space<vmem_shared>>
        tpu.wait_indirect_dma semaphore(%run_scoped3A_84 : memref<!tpu.dma_semaphore, #tpu.memory_space<semaphore_mem>>) src(%dma_wait3A_98 : memref<64x128xf32, #tpu.memory_space<vmem>>) dst(%dma_wait3A_104 : memref<10240x128xf32, #tpu.memory_space<vmem_shared>>)
        tpu.yield
      }) : () -> ()
      %add3A_57 = arith.constant 1 : i32
      %add3A_58 = arith.addi %mul3A_34, %add3A_57 : i32
      %dma_wait3A_59 = arith.constant 1 : i32
      %dma_wait3A_60 = arith.constant 0 : i32
      %dma_wait3A_61 = arith.constant 0 : i32
      %dma_wait3A_62 = tpu.memref_slice %arg9[%dma_wait3A_59, %dma_wait3A_60, %dma_wait3A_61] : memref<2x64x64xi32, #tpu.memory_space<vmem>> -> memref<1x64x64xi32, #tpu.memory_space<vmem>>
      %dma_wait3A_63 = tpu.memref_squeeze %dma_wait3A_62 : memref<1x64x64xi32, #tpu.memory_space<vmem>> -> memref<64x64xi32, #tpu.memory_space<vmem>>
      %dma_wait3A_64 = arith.constant 0 : i32
      %dma_wait3A_65 = tpu.memref_slice %arg7[%add3A_58, %dma_wait3A_64] : memref<80x64xi32, #tpu.memory_space<vmem>> -> memref<1x64xi32, #tpu.memory_space<vmem>>
      %dma_wait3A_66 = tpu.memref_squeeze %dma_wait3A_65 : memref<1x64xi32, #tpu.memory_space<vmem>> -> memref<64xi32, #tpu.memory_space<vmem>>
      %dma_wait3A_67 = arith.constant 0 : i32
      %dma_wait3A_68 = arith.constant 0 : i32
      %dma_wait3A_69 = tpu.memref_slice %arg2[%dma_wait3A_67, %dma_wait3A_68] : memref<10240x64xi32, #tpu.memory_space<hbm>> -> memref<10240x64xi32, #tpu.memory_space<hbm>>
      tpu.wait_indirect_dma semaphore(%arg13 : memref<!tpu.dma_semaphore, #tpu.memory_space<semaphore_mem>>) src(%dma_wait3A_69 : memref<10240x64xi32, #tpu.memory_space<hbm>>) dst(%dma_wait3A_63 : memref<64x64xi32, #tpu.memory_space<vmem>>)
      %scan3A_70 = arith.constant 0 : i32
      %scan3A_71 = arith.constant 0 : i32
      %scan3A_72 = arith.constant 64 : i32
      %scan3A_73 = arith.addi %scan3A_71, %scan3A_72 : i32
      %scan3A_74 = arith.constant 1 : i32
      scf.for %scan3A_84 = %scan3A_71 to %scan3A_73 step %scan3A_74  : i32 {
        %get3A = arith.constant 1 : i32
        %get3A_85 = arith.index_cast %get3A : i32 to index
        %get3A_86 = arith.index_cast %scan3A_84 : i32 to index
        %get3A_87 = arith.constant 0 : index
        %get3A_88 = tpu.vector_load %arg9[%get3A_85, %get3A_86, %get3A_87] {strides = array<i32>} : memref<2x64x64xi32, #tpu.memory_space<vmem>>, vector<16xi32>,
        %shift_left3A = arith.constant 16 : i32
        %shift_left3A_89 = vector.broadcast %shift_left3A : i32 to vector<16xi32>
        %shift_left3A_90 = arith.shli %get3A_88, %shift_left3A_89 : vector<16xi32>
        %bitcast3A = vector.bitcast %shift_left3A_90 : vector<16xi32> to vector<16xf32>
        %swap3A = arith.constant 1 : i32
        %swap3A_91 = arith.index_cast %swap3A : i32 to index
        %swap3A_92 = arith.index_cast %scan3A_84 : i32 to index
        %swap3A_93 = arith.constant 0 : index
        %swap3A_94 = tpu.vector_load %arg10[%swap3A_91, %swap3A_92, %swap3A_93] {strides = array<i32>} : memref<2x64x128xf32, #tpu.memory_space<vmem>>, vector<16xf32>,
        tpu.vector_store %arg10[%swap3A_91, %swap3A_92, %swap3A_93], %bitcast3A {strides = array<i32>} : memref<2x64x128xf32, #tpu.memory_space<vmem>>, vector<16xf32>,
        %and3A = arith.constant -65536 : i32
        %and3A_95 = vector.broadcast %and3A : i32 to vector<16xi32>
        %and3A_96 = arith.andi %get3A_88, %and3A_95 : vector<16xi32>
        %bitcast3A_97 = vector.bitcast %and3A_96 : vector<16xi32> to vector<16xf32>
        %swap3A_98 = arith.constant 1 : i32
        %swap3A_99 = arith.index_cast %swap3A_98 : i32 to index
        %swap3A_100 = arith.index_cast %scan3A_84 : i32 to index
        %swap3A_101 = arith.constant 16 : index
        %swap3A_102 = tpu.vector_load %arg10[%swap3A_99, %swap3A_100, %swap3A_101] {strides = array<i32>} : memref<2x64x128xf32, #tpu.memory_space<vmem>>, vector<16xf32>,
        tpu.vector_store %arg10[%swap3A_99, %swap3A_100, %swap3A_101], %bitcast3A_97 {strides = array<i32>} : memref<2x64x128xf32, #tpu.memory_space<vmem>>, vector<16xf32>,
        %get3A_103 = arith.constant 1 : i32
        %get3A_104 = arith.index_cast %get3A_103 : i32 to index
        %get3A_105 = arith.index_cast %scan3A_84 : i32 to index
        %get3A_106 = arith.constant 16 : index
        %get3A_107 = tpu.vector_load %arg9[%get3A_104, %get3A_105, %get3A_106] {strides = array<i32>} : memref<2x64x64xi32, #tpu.memory_space<vmem>>, vector<16xi32>,
        %shift_left3A_108 = arith.constant 16 : i32
        %shift_left3A_109 = vector.broadcast %shift_left3A_108 : i32 to vector<16xi32>
        %shift_left3A_110 = arith.shli %get3A_107, %shift_left3A_109 : vector<16xi32>
        %bitcast3A_111 = vector.bitcast %shift_left3A_110 : vector<16xi32> to vector<16xf32>
        %swap3A_112 = arith.constant 1 : i32
        %swap3A_113 = arith.index_cast %swap3A_112 : i32 to index
        %swap3A_114 = arith.index_cast %scan3A_84 : i32 to index
        %swap3A_115 = arith.constant 32 : index
        %swap3A_116 = tpu.vector_load %arg10[%swap3A_113, %swap3A_114, %swap3A_115] {strides = array<i32>} : memref<2x64x128xf32, #tpu.memory_space<vmem>>, vector<16xf32>,
        tpu.vector_store %arg10[%swap3A_113, %swap3A_114, %swap3A_115], %bitcast3A_111 {strides = array<i32>} : memref<2x64x128xf32, #tpu.memory_space<vmem>>, vector<16xf32>,
        %and3A_117 = arith.constant -65536 : i32
        %and3A_118 = vector.broadcast %and3A_117 : i32 to vector<16xi32>
        %and3A_119 = arith.andi %get3A_107, %and3A_118 : vector<16xi32>
        %bitcast3A_120 = vector.bitcast %and3A_119 : vector<16xi32> to vector<16xf32>
        %swap3A_121 = arith.constant 1 : i32
        %swap3A_122 = arith.index_cast %swap3A_121 : i32 to index
        %swap3A_123 = arith.index_cast %scan3A_84 : i32 to index
        %swap3A_124 = arith.constant 48 : index
        %swap3A_125 = tpu.vector_load %arg10[%swap3A_122, %swap3A_123, %swap3A_124] {strides = array<i32>} : memref<2x64x128xf32, #tpu.memory_space<vmem>>, vector<16xf32>,
        tpu.vector_store %arg10[%swap3A_122, %swap3A_123, %swap3A_124], %bitcast3A_120 {strides = array<i32>} : memref<2x64x128xf32, #tpu.memory_space<vmem>>, vector<16xf32>,
        %get3A_126 = arith.constant 1 : i32
        %get3A_127 = arith.index_cast %get3A_126 : i32 to index
        %get3A_128 = arith.index_cast %scan3A_84 : i32 to index
        %get3A_129 = arith.constant 32 : index
        %get3A_130 = tpu.vector_load %arg9[%get3A_127, %get3A_128, %get3A_129] {strides = array<i32>} : memref<2x64x64xi32, #tpu.memory_space<vmem>>, vector<16xi32>,
        %shift_left3A_131 = arith.constant 16 : i32
        %shift_left3A_132 = vector.broadcast %shift_left3A_131 : i32 to vector<16xi32>
        %shift_left3A_133 = arith.shli %get3A_130, %shift_left3A_132 : vector<16xi32>
        %bitcast3A_134 = vector.bitcast %shift_left3A_133 : vector<16xi32> to vector<16xf32>
        %swap3A_135 = arith.constant 1 : i32
        %swap3A_136 = arith.index_cast %swap3A_135 : i32 to index
        %swap3A_137 = arith.index_cast %scan3A_84 : i32 to index
        %swap3A_138 = arith.constant 64 : index
        %swap3A_139 = tpu.vector_load %arg10[%swap3A_136, %swap3A_137, %swap3A_138] {strides = array<i32>} : memref<2x64x128xf32, #tpu.memory_space<vmem>>, vector<16xf32>,
        tpu.vector_store %arg10[%swap3A_136, %swap3A_137, %swap3A_138], %bitcast3A_134 {strides = array<i32>} : memref<2x64x128xf32, #tpu.memory_space<vmem>>, vector<16xf32>,
        %and3A_140 = arith.constant -65536 : i32
        %and3A_141 = vector.broadcast %and3A_140 : i32 to vector<16xi32>
        %and3A_142 = arith.andi %get3A_130, %and3A_141 : vector<16xi32>
        %bitcast3A_143 = vector.bitcast %and3A_142 : vector<16xi32> to vector<16xf32>
        %swap3A_144 = arith.constant 1 : i32
        %swap3A_145 = arith.index_cast %swap3A_144 : i32 to index
        %swap3A_146 = arith.index_cast %scan3A_84 : i32 to index
        %swap3A_147 = arith.constant 80 : index
        %swap3A_148 = tpu.vector_load %arg10[%swap3A_145, %swap3A_146, %swap3A_147] {strides = array<i32>} : memref<2x64x128xf32, #tpu.memory_space<vmem>>, vector<16xf32>,
        tpu.vector_store %arg10[%swap3A_145, %swap3A_146, %swap3A_147], %bitcast3A_143 {strides = array<i32>} : memref<2x64x128xf32, #tpu.memory_space<vmem>>, vector<16xf32>,
        %get3A_149 = arith.constant 1 : i32
        %get3A_150 = arith.index_cast %get3A_149 : i32 to index
        %get3A_151 = arith.index_cast %scan3A_84 : i32 to index
        %get3A_152 = arith.constant 48 : index
        %get3A_153 = tpu.vector_load %arg9[%get3A_150, %get3A_151, %get3A_152] {strides = array<i32>} : memref<2x64x64xi32, #tpu.memory_space<vmem>>, vector<16xi32>,
        %shift_left3A_154 = arith.constant 16 : i32
        %shift_left3A_155 = vector.broadcast %shift_left3A_154 : i32 to vector<16xi32>
        %shift_left3A_156 = arith.shli %get3A_153, %shift_left3A_155 : vector<16xi32>
        %bitcast3A_157 = vector.bitcast %shift_left3A_156 : vector<16xi32> to vector<16xf32>
        %swap3A_158 = arith.constant 1 : i32
        %swap3A_159 = arith.index_cast %swap3A_158 : i32 to index
        %swap3A_160 = arith.index_cast %scan3A_84 : i32 to index
        %swap3A_161 = arith.constant 96 : index
        %swap3A_162 = tpu.vector_load %arg10[%swap3A_159, %swap3A_160, %swap3A_161] {strides = array<i32>} : memref<2x64x128xf32, #tpu.memory_space<vmem>>, vector<16xf32>,
        tpu.vector_store %arg10[%swap3A_159, %swap3A_160, %swap3A_161], %bitcast3A_157 {strides = array<i32>} : memref<2x64x128xf32, #tpu.memory_space<vmem>>, vector<16xf32>,
        %and3A_163 = arith.constant -65536 : i32
        %and3A_164 = vector.broadcast %and3A_163 : i32 to vector<16xi32>
        %and3A_165 = arith.andi %get3A_153, %and3A_164 : vector<16xi32>
        %bitcast3A_166 = vector.bitcast %and3A_165 : vector<16xi32> to vector<16xf32>
        %swap3A_167 = arith.constant 1 : i32
        %swap3A_168 = arith.index_cast %swap3A_167 : i32 to index
        %swap3A_169 = arith.index_cast %scan3A_84 : i32 to index
        %swap3A_170 = arith.constant 112 : index
        %swap3A_171 = tpu.vector_load %arg10[%swap3A_168, %swap3A_169, %swap3A_170] {strides = array<i32>} : memref<2x64x128xf32, #tpu.memory_space<vmem>>, vector<16xf32>,
        tpu.vector_store %arg10[%swap3A_168, %swap3A_169, %swap3A_170], %bitcast3A_166 {strides = array<i32>} : memref<2x64x128xf32, #tpu.memory_space<vmem>>, vector<16xf32>,
      }
      %scan3A_75 = arith.constant 64 : i32
      %add3A_76 = arith.constant 2 : i32
      %add3A_77 = arith.addi %add3A_58, %add3A_76 : i32
      %lt3A_78 = arith.constant 80 : i32
      %lt3A_79 = arith.cmpi slt, %add3A_77, %lt3A_78 : i32
      %convert_element_type3A_80 = arith.extui %lt3A_79 : i1 to i32
      %cond3A_81 = arith.constant 0 : i32
      %cond3A_82 = arith.cmpi ne, %convert_element_type3A_80, %cond3A_81 : i32
      scf.if %cond3A_82 {
        %dma_start3A_84 = arith.constant 1 : i32
        %dma_start3A_85 = arith.constant 0 : i32
        %dma_start3A_86 = arith.constant 0 : i32
        %dma_start3A_87 = tpu.memref_slice %arg9[%dma_start3A_84, %dma_start3A_85, %dma_start3A_86] : memref<2x64x64xi32, #tpu.memory_space<vmem>> -> memref<1x64x64xi32, #tpu.memory_space<vmem>>
        %dma_start3A_88 = tpu.memref_squeeze %dma_start3A_87 : memref<1x64x64xi32, #tpu.memory_space<vmem>> -> memref<64x64xi32, #tpu.memory_space<vmem>>
        %dma_start3A_89 = arith.constant 0 : i32
        %dma_start3A_90 = tpu.memref_slice %arg7[%add3A_77, %dma_start3A_89] : memref<80x64xi32, #tpu.memory_space<vmem>> -> memref<1x64xi32, #tpu.memory_space<vmem>>
        %dma_start3A_91 = tpu.memref_squeeze %dma_start3A_90 : memref<1x64xi32, #tpu.memory_space<vmem>> -> memref<64xi32, #tpu.memory_space<vmem>>
        %dma_start3A_92 = arith.constant 0 : i32
        %dma_start3A_93 = arith.constant 0 : i32
        %dma_start3A_94 = tpu.memref_slice %arg2[%dma_start3A_92, %dma_start3A_93] : memref<10240x64xi32, #tpu.memory_space<hbm>> -> memref<10240x64xi32, #tpu.memory_space<hbm>>
        tpu.enqueue_indirect_dma source(%dma_start3A_94 : memref<10240x64xi32, #tpu.memory_space<hbm>>) target(%dma_start3A_88 : memref<64x64xi32, #tpu.memory_space<vmem>>) offsets(%dma_start3A_91 : memref<64xi32, #tpu.memory_space<vmem>>) semaphore(%arg13 : memref<!tpu.dma_semaphore, #tpu.memory_space<semaphore_mem>>)
      } else {
      }
      %run_scoped3A_83 = arith.constant 1 : i32
      "tpu.region"() ({
        %run_scoped3A_84 = tpu.sem_alloc : memref<!tpu.dma_semaphore, #tpu.memory_space<semaphore_mem>>
        %dma_start3A_85 = arith.constant 0 : i32
        %dma_start3A_86 = arith.constant 0 : i32
        %dma_start3A_87 = tpu.memref_slice %arg10[%run_scoped3A_83, %dma_start3A_85, %dma_start3A_86] : memref<2x64x128xf32, #tpu.memory_space<vmem>> -> memref<1x64x128xf32, #tpu.memory_space<vmem>>
        %dma_start3A_88 = tpu.memref_squeeze %dma_start3A_87 : memref<1x64x128xf32, #tpu.memory_space<vmem>> -> memref<64x128xf32, #tpu.memory_space<vmem>>
        %dma_start3A_89 = arith.constant 0 : i32
        %dma_start3A_90 = tpu.memref_slice %arg8[%add3A_58, %dma_start3A_89] : memref<80x64xi32, #tpu.memory_space<vmem>> -> memref<1x64xi32, #tpu.memory_space<vmem>>
        %dma_start3A_91 = tpu.memref_squeeze %dma_start3A_90 : memref<1x64xi32, #tpu.memory_space<vmem>> -> memref<64xi32, #tpu.memory_space<vmem>>
        %dma_start3A_92 = arith.constant 0 : i32
        %dma_start3A_93 = arith.constant 0 : i32
        %dma_start3A_94 = tpu.memref_slice %arg11[%dma_start3A_92, %dma_start3A_93] : memref<10240x128xf32, #tpu.memory_space<vmem_shared>> -> memref<10240x128xf32, #tpu.memory_space<vmem_shared>>
        tpu.enqueue_indirect_dma source(%dma_start3A_88 : memref<64x128xf32, #tpu.memory_space<vmem>>) target(%dma_start3A_94 : memref<10240x128xf32, #tpu.memory_space<vmem_shared>>) offsets(%dma_start3A_91 : memref<64xi32, #tpu.memory_space<vmem>>) semaphore(%run_scoped3A_84 : memref<!tpu.dma_semaphore, #tpu.memory_space<semaphore_mem>>) {add = true}
        %dma_wait3A_95 = arith.constant 0 : i32
        %dma_wait3A_96 = arith.constant 0 : i32
        %dma_wait3A_97 = tpu.memref_slice %arg10[%run_scoped3A_83, %dma_wait3A_95, %dma_wait3A_96] : memref<2x64x128xf32, #tpu.memory_space<vmem>> -> memref<1x64x128xf32, #tpu.memory_space<vmem>>
        %dma_wait3A_98 = tpu.memref_squeeze %dma_wait3A_97 : memref<1x64x128xf32, #tpu.memory_space<vmem>> -> memref<64x128xf32, #tpu.memory_space<vmem>>
        %dma_wait3A_99 = arith.constant 0 : i32
        %dma_wait3A_100 = tpu.memref_slice %arg8[%add3A_58, %dma_wait3A_99] : memref<80x64xi32, #tpu.memory_space<vmem>> -> memref<1x64xi32, #tpu.memory_space<vmem>>
        %dma_wait3A_101 = tpu.memref_squeeze %dma_wait3A_100 : memref<1x64xi32, #tpu.memory_space<vmem>> -> memref<64xi32, #tpu.memory_space<vmem>>
        %dma_wait3A_102 = arith.constant 0 : i32
        %dma_wait3A_103 = arith.constant 0 : i32
        %dma_wait3A_104 = tpu.memref_slice %arg11[%dma_wait3A_102, %dma_wait3A_103] : memref<10240x128xf32, #tpu.memory_space<vmem_shared>> -> memref<10240x128xf32, #tpu.memory_space<vmem_shared>>
        tpu.wait_indirect_dma semaphore(%run_scoped3A_84 : memref<!tpu.dma_semaphore, #tpu.memory_space<semaphore_mem>>) src(%dma_wait3A_98 : memref<64x128xf32, #tpu.memory_space<vmem>>) dst(%dma_wait3A_104 : memref<10240x128xf32, #tpu.memory_space<vmem_shared>>)
        tpu.yield
      }) : () -> ()
    }
    %scan3A_30 = arith.constant 40 : i32
    %barrier3A_31 = arith.constant 0 : index
    tpu.barrier barrier_id(%barrier3A_31)
    "tpu.region"() ({
      %run_scoped3A = tpu.sem_alloc : memref<!tpu.dma_semaphore, #tpu.memory_space<semaphore_mem>>
      %dma_start3A_32 = arith.constant 0 : i32
      %dma_start3A_33 = tpu.memref_slice %arg6[%arg0, %mul3A_2, %dma_start3A_32] : memref<2x10240x128xf32, #tpu.memory_space<hbm>> -> memref<1x640x128xf32, #tpu.memory_space<hbm>>
      %dma_start3A_34 = tpu.memref_squeeze %dma_start3A_33 : memref<1x640x128xf32, #tpu.memory_space<hbm>> -> memref<640x128xf32, #tpu.memory_space<hbm>>
      %dma_start3A_35 = arith.constant 0 : i32
      %dma_start3A_36 = tpu.memref_slice %arg11[%mul3A_2, %dma_start3A_35] : memref<10240x128xf32, #tpu.memory_space<vmem_shared>> -> memref<640x128xf32, #tpu.memory_space<vmem_shared>>
      tpu.enqueue_dma source(%dma_start3A_36 : memref<640x128xf32, #tpu.memory_space<vmem_shared>>) target(%dma_start3A_34 : memref<640x128xf32, #tpu.memory_space<hbm>>) target_semaphore(%run_scoped3A : memref<!tpu.dma_semaphore, #tpu.memory_space<semaphore_mem>>)
      %dma_wait3A = arith.constant 0 : i32
      %dma_wait3A_37 = tpu.memref_slice %arg6[%arg0, %mul3A_2, %dma_wait3A] : memref<2x10240x128xf32, #tpu.memory_space<hbm>> -> memref<1x640x128xf32, #tpu.memory_space<hbm>>
      %dma_wait3A_38 = tpu.memref_squeeze %dma_wait3A_37 : memref<1x640x128xf32, #tpu.memory_space<hbm>> -> memref<640x128xf32, #tpu.memory_space<hbm>>
      %dma_wait3A_39 = arith.constant 0 : i32
      %dma_wait3A_40 = tpu.memref_slice %arg11[%mul3A_2, %dma_wait3A_39] : memref<10240x128xf32, #tpu.memory_space<vmem_shared>> -> memref<640x128xf32, #tpu.memory_space<vmem_shared>>
      tpu.wait_dma2 semaphore(%run_scoped3A : memref<!tpu.dma_semaphore, #tpu.memory_space<semaphore_mem>>) src(%dma_wait3A_40 : memref<640x128xf32, #tpu.memory_space<vmem_shared>>) dst(%dma_wait3A_38 : memref<640x128xf32, #tpu.memory_space<hbm>>)
      tpu.yield
    }) : () -> ()
    return
  }
}

module attributes {stable_mosaic.version = 14 : i64} {
  func.func @_conv_body(%arg0: i32, %arg1: memref<1024x256xf32, #tpu.memory_space<vmem>>, %arg2: memref<256x32xf32, #tpu.memory_space<vmem>>, %arg3: memref<1x32xf32, #tpu.memory_space<vmem>>, %arg4: memref<1024x32xbf16, #tpu.memory_space<vmem>>) attributes {dimension_semantics = [#tpu.dimension_semantics<arbitrary>], iteration_bounds = array<i64: 10>, scalar_prefetch = 0 : i64, scratch_operands = 0 : i64, tpu.core_type = #tpu.core_type<tc>, window_params = [{transform_indices = @transform_0, window_bounds = array<i64: 1024, 256>}, {pipeline_mode = #tpu.pipeline_mode<synchronous>, transform_indices = @transform_1, window_bounds = array<i64: 256, 32>}, {pipeline_mode = #tpu.pipeline_mode<synchronous>, transform_indices = @transform_2, window_bounds = array<i64: 1, 32>}, {transform_indices = @transform_3, window_bounds = array<i64: 1024, 32>}]} {
    %get3A = arith.constant 0 : index
    %get3A_0 = arith.constant 0 : index
    %get3A_1 = vector.load %arg1[%get3A, %get3A_0] : memref<1024x256xf32, #tpu.memory_space<vmem>>, vector<1024x256xf32>
    %get3A_2 = arith.constant 0 : index
    %get3A_3 = arith.constant 0 : index
    %get3A_4 = vector.load %arg2[%get3A_2, %get3A_3] : memref<256x32xf32, #tpu.memory_space<vmem>>, vector<256x32xf32>
    %dot_general3A = arith.constant dense<0.000000e+00> : vector<1024x32xf32>
    %dot_general3A_5 = tpu.matmul %get3A_1, %get3A_4, %dot_general3A {dimension_numbers = #tpu.dot_dimension_numbers<[1], [0], [0], [1], [0, 0, 1, 1], [], []>, transpose_lhs_hint = false} : vector<1024x256xf32>, vector<256x32xf32>, vector<1024x32xf32> -> vector<1024x32xf32>
    %get3A_6 = arith.constant 0 : index
    %get3A_7 = arith.constant 0 : index
    %get3A_8 = vector.load %arg3[%get3A_6, %get3A_7] : memref<1x32xf32, #tpu.memory_space<vmem>>, vector<1x32xf32>
    %add3A = vector.broadcast %get3A_8 : vector<1x32xf32> to vector<1024x32xf32>
    %add3A_9 = arith.addf %dot_general3A_5, %add3A : vector<1024x32xf32>
    %max3A = arith.constant 0.000000e+00 : f32
    %max3A_10 = vector.broadcast %max3A : f32 to vector<1024x32xf32>
    %max3A_11 = arith.maximumf %add3A_9, %max3A_10 : vector<1024x32xf32>
    %convert_element_type3A = arith.truncf %max3A_11 : vector<1024x32xf32> to vector<1024x32xbf16>
    %swap3A = arith.constant 0 : index
    %swap3A_12 = arith.constant 0 : index
    %swap3A_13 = vector.load %arg4[%swap3A, %swap3A_12] : memref<1024x32xbf16, #tpu.memory_space<vmem>>, vector<1024x32xbf16>
    tpu.vector_store %arg4[%swap3A, %swap3A_12], %convert_element_type3A {strides = array<i32>} : memref<1024x32xbf16, #tpu.memory_space<vmem>>, vector<1024x32xbf16>,
    return
  }
  func.func @transform_0(%arg0: i32) -> (i32, i32) {
    %c0_i32 = arith.constant 0 : i32
    %c0_i32_0 = arith.constant 0 : i32
    return %arg0, %c0_i32 : i32, i32
  }
  func.func @transform_1(%arg0: i32) -> (i32, i32) {
    %c0_i32 = arith.constant 0 : i32
    %c0_i32_0 = arith.constant 0 : i32
    %c0_i32_1 = arith.constant 0 : i32
    return %c0_i32, %c0_i32_0 : i32, i32
  }
  func.func @transform_2(%arg0: i32) -> (i32, i32) {
    %c0_i32 = arith.constant 0 : i32
    %c0_i32_0 = arith.constant 0 : i32
    %c0_i32_1 = arith.constant 0 : i32
    return %c0_i32, %c0_i32_0 : i32, i32
  }
  func.func @transform_3(%arg0: i32) -> (i32, i32) {
    %c0_i32 = arith.constant 0 : i32
    %c0_i32_0 = arith.constant 0 : i32
    return %arg0, %c0_i32 : i32, i32
  }
}

module attributes {stable_mosaic.version = 14 : i64} {
  func.func @_mid_body(%arg0: i32, %arg1: memref<1024x32xbf16, #tpu.memory_space<vmem>>, %arg2: memref<1x1024x32xf32, #tpu.memory_space<vmem>>, %arg3: memref<1x1024x32xf32, #tpu.memory_space<vmem>>, %arg4: memref<32x256xf32, #tpu.memory_space<vmem>>, %arg5: memref<32x256xf32, #tpu.memory_space<vmem>>, %arg6: memref<1x256xf32, #tpu.memory_space<vmem>>, %arg7: memref<256x128xf32, #tpu.memory_space<vmem>>, %arg8: memref<1024x256xf32, #tpu.memory_space<vmem>>, %arg9: memref<1024x128xbf16, #tpu.memory_space<vmem>>) attributes {dimension_semantics = [#tpu.dimension_semantics<arbitrary>], iteration_bounds = array<i64: 10>, scalar_prefetch = 0 : i64, scratch_operands = 0 : i64, tpu.core_type = #tpu.core_type<tc>, window_params = [{transform_indices = @transform_0, window_bounds = array<i64: 1024, 32>}, {transform_indices = @transform_1, window_bounds = array<i64: 1, 1024, 32>}, {transform_indices = @transform_2, window_bounds = array<i64: 1, 1024, 32>}, {pipeline_mode = #tpu.pipeline_mode<synchronous>, transform_indices = @transform_3, window_bounds = array<i64: 32, 256>}, {pipeline_mode = #tpu.pipeline_mode<synchronous>, transform_indices = @transform_4, window_bounds = array<i64: 32, 256>}, {pipeline_mode = #tpu.pipeline_mode<synchronous>, transform_indices = @transform_5, window_bounds = array<i64: 1, 256>}, {pipeline_mode = #tpu.pipeline_mode<synchronous>, transform_indices = @transform_6, window_bounds = array<i64: 256, 128>}, {transform_indices = @transform_7, window_bounds = array<i64: 1024, 256>}, {transform_indices = @transform_8, window_bounds = array<i64: 1024, 128>}]} {
    %get3A = arith.constant 0 : index
    %get3A_0 = arith.constant 0 : index
    %get3A_1 = arith.constant 0 : index
    %get3A_2 = vector.load %arg2[%get3A, %get3A_0, %get3A_1] : memref<1x1024x32xf32, #tpu.memory_space<vmem>>, vector<1x1024x32xf32>
    %get3A_3 = vector.shape_cast %get3A_2 : vector<1x1024x32xf32> to vector<1024x32xf32>
    %get3A_4 = arith.constant 0 : index
    %get3A_5 = arith.constant 0 : index
    %get3A_6 = arith.constant 0 : index
    %get3A_7 = vector.load %arg3[%get3A_4, %get3A_5, %get3A_6] : memref<1x1024x32xf32, #tpu.memory_space<vmem>>, vector<1x1024x32xf32>
    %get3A_8 = vector.shape_cast %get3A_7 : vector<1x1024x32xf32> to vector<1024x32xf32>
    %add3A = arith.addf %get3A_3, %get3A_8 : vector<1024x32xf32>
    %slice3A = vector.extract_strided_slice %add3A {offsets = [0, 31], sizes = [1024, 1], strides = [1, 1]} : vector<1024x32xf32> to vector<1024x1xf32>
    %max3A = arith.constant 1.000000e+00 : f32
    %max3A_9 = vector.broadcast %max3A : f32 to vector<1024x1xf32>
    %max3A_10 = arith.maximumf %slice3A, %max3A_9 : vector<1024x1xf32>
    %div3A = vector.broadcast %max3A_10 : vector<1024x1xf32> to vector<1024x32xf32>
    %div3A_11 = arith.divf %add3A, %div3A : vector<1024x32xf32>
    %get3A_12 = arith.constant 0 : index
    %get3A_13 = arith.constant 0 : index
    %get3A_14 = vector.load %arg1[%get3A_12, %get3A_13] : memref<1024x32xbf16, #tpu.memory_space<vmem>>, vector<1024x32xbf16>
    %convert_element_type3A = arith.extf %get3A_14 : vector<1024x32xbf16> to vector<1024x32xf32>
    %get3A_15 = arith.constant 0 : index
    %get3A_16 = arith.constant 0 : index
    %get3A_17 = vector.load %arg4[%get3A_15, %get3A_16] : memref<32x256xf32, #tpu.memory_space<vmem>>, vector<32x256xf32>
    %dot_general3A = arith.constant dense<0.000000e+00> : vector<1024x256xf32>
    %dot_general3A_18 = tpu.matmul %convert_element_type3A, %get3A_17, %dot_general3A {dimension_numbers = #tpu.dot_dimension_numbers<[1], [0], [0], [1], [0, 0, 1, 1], [], []>, transpose_lhs_hint = false} : vector<1024x32xf32>, vector<32x256xf32>, vector<1024x256xf32> -> vector<1024x256xf32>
    %get3A_19 = arith.constant 0 : index
    %get3A_20 = arith.constant 0 : index
    %get3A_21 = vector.load %arg5[%get3A_19, %get3A_20] : memref<32x256xf32, #tpu.memory_space<vmem>>, vector<32x256xf32>
    %dot_general3A_22 = arith.constant dense<0.000000e+00> : vector<1024x256xf32>
    %dot_general3A_23 = tpu.matmul %div3A_11, %get3A_21, %dot_general3A_22 {dimension_numbers = #tpu.dot_dimension_numbers<[1], [0], [0], [1], [0, 0, 1, 1], [], []>, transpose_lhs_hint = false} : vector<1024x32xf32>, vector<32x256xf32>, vector<1024x256xf32> -> vector<1024x256xf32>
    %add3A_24 = arith.addf %dot_general3A_18, %dot_general3A_23 : vector<1024x256xf32>
    %get3A_25 = arith.constant 0 : index
    %get3A_26 = arith.constant 0 : index
    %get3A_27 = vector.load %arg6[%get3A_25, %get3A_26] : memref<1x256xf32, #tpu.memory_space<vmem>>, vector<1x256xf32>
    %add3A_28 = vector.broadcast %get3A_27 : vector<1x256xf32> to vector<1024x256xf32>
    %add3A_29 = arith.addf %add3A_24, %add3A_28 : vector<1024x256xf32>
    %max3A_30 = arith.constant 0.000000e+00 : f32
    %max3A_31 = vector.broadcast %max3A_30 : f32 to vector<1024x256xf32>
    %max3A_32 = arith.maximumf %add3A_29, %max3A_31 : vector<1024x256xf32>
    %swap3A = arith.constant 0 : index
    %swap3A_33 = arith.constant 0 : index
    %swap3A_34 = vector.load %arg8[%swap3A, %swap3A_33] : memref<1024x256xf32, #tpu.memory_space<vmem>>, vector<1024x256xf32>
    tpu.vector_store %arg8[%swap3A, %swap3A_33], %max3A_32 {strides = array<i32>} : memref<1024x256xf32, #tpu.memory_space<vmem>>, vector<1024x256xf32>,
    %get3A_35 = arith.constant 0 : index
    %get3A_36 = arith.constant 0 : index
    %get3A_37 = vector.load %arg7[%get3A_35, %get3A_36] : memref<256x128xf32, #tpu.memory_space<vmem>>, vector<256x128xf32>
    %dot_general3A_38 = arith.constant dense<0.000000e+00> : vector<1024x128xf32>
    %dot_general3A_39 = tpu.matmul %max3A_32, %get3A_37, %dot_general3A_38 {dimension_numbers = #tpu.dot_dimension_numbers<[1], [0], [0], [1], [0, 0, 1, 1], [], []>, transpose_lhs_hint = false} : vector<1024x256xf32>, vector<256x128xf32>, vector<1024x128xf32> -> vector<1024x128xf32>
    %convert_element_type3A_40 = arith.truncf %dot_general3A_39 : vector<1024x128xf32> to vector<1024x128xbf16>
    %swap3A_41 = arith.constant 0 : index
    %swap3A_42 = arith.constant 0 : index
    %swap3A_43 = vector.load %arg9[%swap3A_41, %swap3A_42] : memref<1024x128xbf16, #tpu.memory_space<vmem>>, vector<1024x128xbf16>
    tpu.vector_store %arg9[%swap3A_41, %swap3A_42], %convert_element_type3A_40 {strides = array<i32>} : memref<1024x128xbf16, #tpu.memory_space<vmem>>, vector<1024x128xbf16>,
    return
  }
  func.func @transform_0(%arg0: i32) -> (i32, i32) {
    %c0_i32 = arith.constant 0 : i32
    %c0_i32_0 = arith.constant 0 : i32
    return %arg0, %c0_i32 : i32, i32
  }
  func.func @transform_1(%arg0: i32) -> (i32, i32, i32) {
    %c0_i32 = arith.constant 0 : i32
    %c0_i32_0 = arith.constant 0 : i32
    %c0_i32_1 = arith.constant 0 : i32
    return %c0_i32, %arg0, %c0_i32_0 : i32, i32, i32
  }
  func.func @transform_2(%arg0: i32) -> (i32, i32, i32) {
    %c1_i32 = arith.constant 1 : i32
    %c0_i32 = arith.constant 0 : i32
    %c0_i32_0 = arith.constant 0 : i32
    return %c1_i32, %arg0, %c0_i32 : i32, i32, i32
  }
  func.func @transform_3(%arg0: i32) -> (i32, i32) {
    %c0_i32 = arith.constant 0 : i32
    %c0_i32_0 = arith.constant 0 : i32
    %c0_i32_1 = arith.constant 0 : i32
    return %c0_i32, %c0_i32_0 : i32, i32
  }
  func.func @transform_4(%arg0: i32) -> (i32, i32) {
    %c0_i32 = arith.constant 0 : i32
    %c0_i32_0 = arith.constant 0 : i32
    %c0_i32_1 = arith.constant 0 : i32
    return %c0_i32, %c0_i32_0 : i32, i32
  }
  func.func @transform_5(%arg0: i32) -> (i32, i32) {
    %c0_i32 = arith.constant 0 : i32
    %c0_i32_0 = arith.constant 0 : i32
    %c0_i32_1 = arith.constant 0 : i32
    return %c0_i32, %c0_i32_0 : i32, i32
  }
  func.func @transform_6(%arg0: i32) -> (i32, i32) {
    %c0_i32 = arith.constant 0 : i32
    %c0_i32_0 = arith.constant 0 : i32
    %c0_i32_1 = arith.constant 0 : i32
    return %c0_i32, %c0_i32_0 : i32, i32
  }
  func.func @transform_7(%arg0: i32) -> (i32, i32) {
    %c0_i32 = arith.constant 0 : i32
    %c0_i32_0 = arith.constant 0 : i32
    return %arg0, %c0_i32 : i32, i32
  }
  func.func @transform_8(%arg0: i32) -> (i32, i32) {
    %c0_i32 = arith.constant 0 : i32
    %c0_i32_0 = arith.constant 0 : i32
    return %arg0, %c0_i32 : i32, i32
  }
}

module attributes {stable_mosaic.version = 14 : i64} {
  func.func @_head_body(%arg0: i32, %arg1: memref<1024x256xf32, #tpu.memory_space<vmem>>, %arg2: memref<1x1024x32xf32, #tpu.memory_space<vmem>>, %arg3: memref<1x1024x32xf32, #tpu.memory_space<vmem>>, %arg4: memref<1x1024x128xf32, #tpu.memory_space<vmem>>, %arg5: memref<1x1024x128xf32, #tpu.memory_space<vmem>>, %arg6: memref<256x128xf32, #tpu.memory_space<vmem>>, %arg7: memref<1x128xf32, #tpu.memory_space<vmem>>, %arg8: memref<128x64xf32, #tpu.memory_space<vmem>>, %arg9: memref<1x64xf32, #tpu.memory_space<vmem>>, %arg10: memref<64x32xf32, #tpu.memory_space<vmem>>, %arg11: memref<1x32xf32, #tpu.memory_space<vmem>>, %arg12: memref<32x1xf32, #tpu.memory_space<vmem>>, %arg13: memref<1x1xf32, #tpu.memory_space<vmem>>, %arg14: memref<1024x1xf32, #tpu.memory_space<vmem>>) attributes {dimension_semantics = [#tpu.dimension_semantics<arbitrary>], iteration_bounds = array<i64: 10>, scalar_prefetch = 0 : i64, scratch_operands = 0 : i64, tpu.core_type = #tpu.core_type<tc>, window_params = [{transform_indices = @transform_0, window_bounds = array<i64: 1024, 256>}, {transform_indices = @transform_1, window_bounds = array<i64: 1, 1024, 32>}, {transform_indices = @transform_2, window_bounds = array<i64: 1, 1024, 32>}, {transform_indices = @transform_3, window_bounds = array<i64: 1, 1024, 128>}, {transform_indices = @transform_4, window_bounds = array<i64: 1, 1024, 128>}, {pipeline_mode = #tpu.pipeline_mode<synchronous>, transform_indices = @transform_5, window_bounds = array<i64: 256, 128>}, {pipeline_mode = #tpu.pipeline_mode<synchronous>, transform_indices = @transform_6, window_bounds = array<i64: 1, 128>}, {pipeline_mode = #tpu.pipeline_mode<synchronous>, transform_indices = @transform_7, window_bounds = array<i64: 128, 64>}, {pipeline_mode = #tpu.pipeline_mode<synchronous>, transform_indices = @transform_8, window_bounds = array<i64: 1, 64>}, {pipeline_mode = #tpu.pipeline_mode<synchronous>, transform_indices = @transform_9, window_bounds = array<i64: 64, 32>}, {pipeline_mode = #tpu.pipeline_mode<synchronous>, transform_indices = @transform_10, window_bounds = array<i64: 1, 32>}, {pipeline_mode = #tpu.pipeline_mode<synchronous>, transform_indices = @transform_11, window_bounds = array<i64: 32, 1>}, {pipeline_mode = #tpu.pipeline_mode<synchronous>, transform_indices = @transform_12, window_bounds = array<i64: 1, 1>}, {transform_indices = @transform_13, window_bounds = array<i64: 1024, 1>}]} {
    %get3A = arith.constant 0 : index
    %get3A_0 = arith.constant 0 : index
    %get3A_1 = arith.constant 31 : index
    %get3A_2 = vector.load %arg2[%get3A, %get3A_0, %get3A_1] : memref<1x1024x32xf32, #tpu.memory_space<vmem>>, vector<1x1024x1xf32>
    %get3A_3 = vector.shape_cast %get3A_2 : vector<1x1024x1xf32> to vector<1024x1xf32>
    %get3A_4 = arith.constant 0 : index
    %get3A_5 = arith.constant 0 : index
    %get3A_6 = arith.constant 31 : index
    %get3A_7 = vector.load %arg3[%get3A_4, %get3A_5, %get3A_6] : memref<1x1024x32xf32, #tpu.memory_space<vmem>>, vector<1x1024x1xf32>
    %get3A_8 = vector.shape_cast %get3A_7 : vector<1x1024x1xf32> to vector<1024x1xf32>
    %add3A = arith.addf %get3A_3, %get3A_8 : vector<1024x1xf32>
    %max3A = arith.constant 1.000000e+00 : f32
    %max3A_9 = vector.broadcast %max3A : f32 to vector<1024x1xf32>
    %max3A_10 = arith.maximumf %add3A, %max3A_9 : vector<1024x1xf32>
    %get3A_11 = arith.constant 0 : index
    %get3A_12 = arith.constant 0 : index
    %get3A_13 = arith.constant 0 : index
    %get3A_14 = vector.load %arg4[%get3A_11, %get3A_12, %get3A_13] : memref<1x1024x128xf32, #tpu.memory_space<vmem>>, vector<1x1024x128xf32>
    %get3A_15 = vector.shape_cast %get3A_14 : vector<1x1024x128xf32> to vector<1024x128xf32>
    %get3A_16 = arith.constant 0 : index
    %get3A_17 = arith.constant 0 : index
    %get3A_18 = arith.constant 0 : index
    %get3A_19 = vector.load %arg5[%get3A_16, %get3A_17, %get3A_18] : memref<1x1024x128xf32, #tpu.memory_space<vmem>>, vector<1x1024x128xf32>
    %get3A_20 = vector.shape_cast %get3A_19 : vector<1x1024x128xf32> to vector<1024x128xf32>
    %add3A_21 = arith.addf %get3A_15, %get3A_20 : vector<1024x128xf32>
    %div3A = vector.broadcast %max3A_10 : vector<1024x1xf32> to vector<1024x128xf32>
    %div3A_22 = arith.divf %add3A_21, %div3A : vector<1024x128xf32>
    %get3A_23 = arith.constant 0 : index
    %get3A_24 = arith.constant 0 : index
    %get3A_25 = vector.load %arg1[%get3A_23, %get3A_24] : memref<1024x256xf32, #tpu.memory_space<vmem>>, vector<1024x256xf32>
    %get3A_26 = arith.constant 0 : index
    %get3A_27 = arith.constant 0 : index
    %get3A_28 = vector.load %arg6[%get3A_26, %get3A_27] : memref<256x128xf32, #tpu.memory_space<vmem>>, vector<256x128xf32>
    %dot_general3A = arith.constant dense<0.000000e+00> : vector<1024x128xf32>
    %dot_general3A_29 = tpu.matmul %get3A_25, %get3A_28, %dot_general3A {dimension_numbers = #tpu.dot_dimension_numbers<[1], [0], [0], [1], [0, 0, 1, 1], [], []>, transpose_lhs_hint = false} : vector<1024x256xf32>, vector<256x128xf32>, vector<1024x128xf32> -> vector<1024x128xf32>
    %add3A_30 = arith.addf %dot_general3A_29, %div3A_22 : vector<1024x128xf32>
    %get3A_31 = arith.constant 0 : index
    %get3A_32 = arith.constant 0 : index
    %get3A_33 = vector.load %arg7[%get3A_31, %get3A_32] : memref<1x128xf32, #tpu.memory_space<vmem>>, vector<1x128xf32>
    %add3A_34 = vector.broadcast %get3A_33 : vector<1x128xf32> to vector<1024x128xf32>
    %add3A_35 = arith.addf %add3A_30, %add3A_34 : vector<1024x128xf32>
    %max3A_36 = arith.constant 0.000000e+00 : f32
    %max3A_37 = vector.broadcast %max3A_36 : f32 to vector<1024x128xf32>
    %max3A_38 = arith.maximumf %add3A_35, %max3A_37 : vector<1024x128xf32>
    %get3A_39 = arith.constant 0 : index
    %get3A_40 = arith.constant 0 : index
    %get3A_41 = vector.load %arg8[%get3A_39, %get3A_40] : memref<128x64xf32, #tpu.memory_space<vmem>>, vector<128x64xf32>
    %dot_general3A_42 = arith.constant dense<0.000000e+00> : vector<1024x64xf32>
    %dot_general3A_43 = tpu.matmul %max3A_38, %get3A_41, %dot_general3A_42 {dimension_numbers = #tpu.dot_dimension_numbers<[1], [0], [0], [1], [0, 0, 1, 1], [], []>, transpose_lhs_hint = false} : vector<1024x128xf32>, vector<128x64xf32>, vector<1024x64xf32> -> vector<1024x64xf32>
    %get3A_44 = arith.constant 0 : index
    %get3A_45 = arith.constant 0 : index
    %get3A_46 = vector.load %arg9[%get3A_44, %get3A_45] : memref<1x64xf32, #tpu.memory_space<vmem>>, vector<1x64xf32>
    %add3A_47 = vector.broadcast %get3A_46 : vector<1x64xf32> to vector<1024x64xf32>
    %add3A_48 = arith.addf %dot_general3A_43, %add3A_47 : vector<1024x64xf32>
    %max3A_49 = arith.constant 0.000000e+00 : f32
    %max3A_50 = vector.broadcast %max3A_49 : f32 to vector<1024x64xf32>
    %max3A_51 = arith.maximumf %add3A_48, %max3A_50 : vector<1024x64xf32>
    %get3A_52 = arith.constant 0 : index
    %get3A_53 = arith.constant 0 : index
    %get3A_54 = vector.load %arg10[%get3A_52, %get3A_53] : memref<64x32xf32, #tpu.memory_space<vmem>>, vector<64x32xf32>
    %dot_general3A_55 = arith.constant dense<0.000000e+00> : vector<1024x32xf32>
    %dot_general3A_56 = tpu.matmul %max3A_51, %get3A_54, %dot_general3A_55 {dimension_numbers = #tpu.dot_dimension_numbers<[1], [0], [0], [1], [0, 0, 1, 1], [], []>, transpose_lhs_hint = false} : vector<1024x64xf32>, vector<64x32xf32>, vector<1024x32xf32> -> vector<1024x32xf32>
    %get3A_57 = arith.constant 0 : index
    %get3A_58 = arith.constant 0 : index
    %get3A_59 = vector.load %arg11[%get3A_57, %get3A_58] : memref<1x32xf32, #tpu.memory_space<vmem>>, vector<1x32xf32>
    %add3A_60 = vector.broadcast %get3A_59 : vector<1x32xf32> to vector<1024x32xf32>
    %add3A_61 = arith.addf %dot_general3A_56, %add3A_60 : vector<1024x32xf32>
    %max3A_62 = arith.constant 0.000000e+00 : f32
    %max3A_63 = vector.broadcast %max3A_62 : f32 to vector<1024x32xf32>
    %max3A_64 = arith.maximumf %add3A_61, %max3A_63 : vector<1024x32xf32>
    %get3A_65 = arith.constant 0 : index
    %get3A_66 = arith.constant 0 : index
    %get3A_67 = vector.load %arg12[%get3A_65, %get3A_66] : memref<32x1xf32, #tpu.memory_space<vmem>>, vector<32x1xf32>
    %dot_general3A_68 = arith.constant dense<0.000000e+00> : vector<1024x1xf32>
    %dot_general3A_69 = tpu.matmul %max3A_64, %get3A_67, %dot_general3A_68 {dimension_numbers = #tpu.dot_dimension_numbers<[1], [0], [0], [1], [0, 0, 1, 1], [], []>, transpose_lhs_hint = false} : vector<1024x32xf32>, vector<32x1xf32>, vector<1024x1xf32> -> vector<1024x1xf32>
    %get3A_70 = arith.constant 0 : index
    %get3A_71 = arith.constant 0 : index
    %get3A_72 = vector.load %arg13[%get3A_70, %get3A_71] : memref<1x1xf32, #tpu.memory_space<vmem>>, vector<1x1xf32>
    %add3A_73 = vector.broadcast %get3A_72 : vector<1x1xf32> to vector<1024x1xf32>
    %add3A_74 = arith.addf %dot_general3A_69, %add3A_73 : vector<1024x1xf32>
    %swap3A = arith.constant 0 : index
    %swap3A_75 = arith.constant 0 : index
    %swap3A_76 = vector.load %arg14[%swap3A, %swap3A_75] : memref<1024x1xf32, #tpu.memory_space<vmem>>, vector<1024x1xf32>
    tpu.vector_store %arg14[%swap3A, %swap3A_75], %add3A_74 {strides = array<i32>} : memref<1024x1xf32, #tpu.memory_space<vmem>>, vector<1024x1xf32>,
    return
  }
  func.func @transform_0(%arg0: i32) -> (i32, i32) {
    %c0_i32 = arith.constant 0 : i32
    %c0_i32_0 = arith.constant 0 : i32
    return %arg0, %c0_i32 : i32, i32
  }
  func.func @transform_1(%arg0: i32) -> (i32, i32, i32) {
    %c0_i32 = arith.constant 0 : i32
    %c0_i32_0 = arith.constant 0 : i32
    %c0_i32_1 = arith.constant 0 : i32
    return %c0_i32, %arg0, %c0_i32_0 : i32, i32, i32
  }
  func.func @transform_2(%arg0: i32) -> (i32, i32, i32) {
    %c1_i32 = arith.constant 1 : i32
    %c0_i32 = arith.constant 0 : i32
    %c0_i32_0 = arith.constant 0 : i32
    return %c1_i32, %arg0, %c0_i32 : i32, i32, i32
  }
  func.func @transform_3(%arg0: i32) -> (i32, i32, i32) {
    %c0_i32 = arith.constant 0 : i32
    %c0_i32_0 = arith.constant 0 : i32
    %c0_i32_1 = arith.constant 0 : i32
    return %c0_i32, %arg0, %c0_i32_0 : i32, i32, i32
  }
  func.func @transform_4(%arg0: i32) -> (i32, i32, i32) {
    %c1_i32 = arith.constant 1 : i32
    %c0_i32 = arith.constant 0 : i32
    %c0_i32_0 = arith.constant 0 : i32
    return %c1_i32, %arg0, %c0_i32 : i32, i32, i32
  }
  func.func @transform_5(%arg0: i32) -> (i32, i32) {
    %c0_i32 = arith.constant 0 : i32
    %c0_i32_0 = arith.constant 0 : i32
    %c0_i32_1 = arith.constant 0 : i32
    return %c0_i32, %c0_i32_0 : i32, i32
  }
  func.func @transform_6(%arg0: i32) -> (i32, i32) {
    %c0_i32 = arith.constant 0 : i32
    %c0_i32_0 = arith.constant 0 : i32
    %c0_i32_1 = arith.constant 0 : i32
    return %c0_i32, %c0_i32_0 : i32, i32
  }
  func.func @transform_7(%arg0: i32) -> (i32, i32) {
    %c0_i32 = arith.constant 0 : i32
    %c0_i32_0 = arith.constant 0 : i32
    %c0_i32_1 = arith.constant 0 : i32
    return %c0_i32, %c0_i32_0 : i32, i32
  }
  func.func @transform_8(%arg0: i32) -> (i32, i32) {
    %c0_i32 = arith.constant 0 : i32
    %c0_i32_0 = arith.constant 0 : i32
    %c0_i32_1 = arith.constant 0 : i32
    return %c0_i32, %c0_i32_0 : i32, i32
  }
  func.func @transform_9(%arg0: i32) -> (i32, i32) {
    %c0_i32 = arith.constant 0 : i32
    %c0_i32_0 = arith.constant 0 : i32
    %c0_i32_1 = arith.constant 0 : i32
    return %c0_i32, %c0_i32_0 : i32, i32
  }
  func.func @transform_10(%arg0: i32) -> (i32, i32) {
    %c0_i32 = arith.constant 0 : i32
    %c0_i32_0 = arith.constant 0 : i32
    %c0_i32_1 = arith.constant 0 : i32
    return %c0_i32, %c0_i32_0 : i32, i32
  }
  func.func @transform_11(%arg0: i32) -> (i32, i32) {
    %c0_i32 = arith.constant 0 : i32
    %c0_i32_0 = arith.constant 0 : i32
    %c0_i32_1 = arith.constant 0 : i32
    return %c0_i32, %c0_i32_0 : i32, i32
  }
  func.func @transform_12(%arg0: i32) -> (i32, i32) {
    %c0_i32 = arith.constant 0 : i32
    %c0_i32_0 = arith.constant 0 : i32
    %c0_i32_1 = arith.constant 0 : i32
    return %c0_i32, %c0_i32_0 : i32, i32
  }
  func.func @transform_13(%arg0: i32) -> (i32, i32) {
    %c0_i32 = arith.constant 0 : i32
    %c0_i32_0 = arith.constant 0 : i32
    return %arg0, %c0_i32 : i32, i32
  }
}

</mosaic_0001>

<sc_bundles>
// kernel: kernel.10.cloned.1.call-start
scs
__scs_entry_jumppad:
0x0: {  	(pc) =	sbr.rel $0x88, $3  }
0x1: {  	(tag) =	ssettag $0x0;
	lr =	simm.s32 $0x1  }
0x2: {  	[smem:$0x3F91] =	sst lr;
	_ =	strace $0xD0000000  }
0x3: {  	_ = 	snop  }
0x4: {  	_ = 	snop  }
0x5: {  	_ = 	snop  }
0x6: {  	_ = 	snop  }
0x7: {  	_ = 	snop  }
__scs_overlays_trampoline_lowered:
0x8: {  	[smem:$0x3FA0] =	sst s0  }
0x9: {  	[smem:$0x3FA1] =	sst s1  }
0xa: {  	[smem:$0x3FA2] =	sst s2  }
0xb: {  	[smem:$0x3FA3] =	sst s3  }
0xc: {  	[smem:$0x3FA4] =	sst s4  }
0xd: {  	[smem:$0x3FA5] =	sst s5  }
0xe: {  	[smem:$0x3FA6] =	sst s6  }
0xf: {  	[smem:$0x3FA7] =	sst s7  }
0x10: {  	[smem:$0x3FA8] =	sst s8  }
0x11: {  	[smem:$0x3FA9] =	sst s9;
	s0 =	simm.s32 @!p0 $0x0  }
0x12: {  	s1 =	sld [smem:$0x3F8F];
	s0 =	simm.s32 @p0 $0x1  }
0x13: {  	[smem:$0x3FAA] =	sst s0;
	s0 =	simm.s32 @!p1 $0x0  }
0x14: {  	s2 =	sld [smem:$0x3F8E];
	s0 =	simm.s32 @p1 $0x1  }
0x15: {  	[smem:$0x3FAB] =	sst s0;
	s0 =	simm.s32 @!p2 $0x0  }
0x16: {  	s3 =	sld [smem:$0x3FDB];
	s0 =	simm.s32 @p2 $0x1  }
0x17: {  	s4 =	simm.s32 $0x1BF5;
	[smem:$0x3FAD] =	sst s0  }
0x18: {  	s0 =	sld [smem:$0x3F90];
	_ =	swait.ge [sflag:s4], $0x0  }
0x19: {  	s7 =	sld [smem:$0x3F91]  }
0x1a: {  	s8 =	sadd.s32 $0xFFFFE003, lr  }
0x1b: {  	s9 =	sadd.s32 $0xFFFFFEF7, lr;
	s5 =	simm.s32 $0xFFFFFFFF;
	p2 =	slt.u32 s8, $0xFFFFF086  }
0x1c: {  	p1 =	slt.u32 s9, $0xF7A;
	s5 =	simm.s32 @!p2 $0x0  }
0x1d: {  	s5 =	simm.s32 @p1 $0x1;
	p0 =	seq.s32 s7, s2  }
0x1e: {  	s7 =	smul.u32 @!p0 $0xF7A, s2;
	p2 =	seq.s32 @!p0 s5, $0x0  }
0x1f: {  	s9 =	smul.u32 $0xF7A, s1;
	s8 =	simm.s32 @!p0 $0x1BF5;
	p2 =	por !p2, p0  }
0x20: {  	[sflag:s8] =	ssyncset.s32 @!p0 $0xFFFFF086;
	s6 =	sadd.s32 @!p0 s3, s7;
	s7 =	simm.s32 @!p0 $0x108  }
0x21: {  	s3 =	sadd.s32 s3, s9;
	s6 =	sadd.s32 @!p0 $0x88, s6;
	s7 =	simm.s32 @p2 $0x1082  }
0x22: {  	[simem:s7], [sflag:s8] =	dma.local @!p0 [hbm:s6], $0xF7A  }
0x23: {  	s9 =	sor.u32 $0xD0000000, s2;
	s6 =	simm.s32 $0x108;
	_ =	swait.ge @!p0 [sflag:s8], $0x0  }
0x24: {  	s3 =	sadd.s32 $0x88, s3;
	s6 =	simm.s32 @!p1 $0x1082;
	[sflag:s4] =	ssyncset.s32 $0xFFFFF086  }
0x25: {  	[simem:s6], [sflag:s4] =	dma.local [hbm:s3], $0xF7A  }
0x26: {  	[smem:$0x3F91] =	sst s1;
	(tag) =	ssettag s2;
	_ =	strace s9  }
0x27: {  	s1 =	sld [smem:$0x3FA1]  }
0x28: {  	s2 =	sld [smem:$0x3FA2]  }
0x29: {  	s4 =	sld [smem:$0x3FA4]  }
0x2a: {  	p0 =	seq.s32 s5, $0x0;
	s5 =	sld [smem:$0x3FA5]  }
0x2b: {  	s6 =	sld [smem:$0x3FA6]  }
0x2c: {  	s7 =	sld [smem:$0x3FA7]  }
0x2d: {  	s3 =	simm.s32 $0x108;
	s8 =	sld [smem:$0x3FA8]  }
0x2e: {  	s3 =	simm.s32 @!p0 $0x1082;
	s9 =	sld [smem:$0x3FA9]  }
0x2f: {  	lr =	sadd.s32 s0, s3;
	s0 =	sld [smem:$0x3FA0]  }
0x30: {  	s3 =	sld [smem:$0x3FA3]  }
0x31: {  	[smem:$0x3FAC] =	sst s10  }
0x32: {  	s10 =	sld [smem:$0x3FAA];
	_ =	sdelay $0x3  }
0x33: {  	p0 =	seq.s32 s10, $0x1;
	s10 =	sld [smem:$0x3FAC];
	_ =	sdelay $0x3  }
0x34: {  	[smem:$0x3FAC] =	sst s10  }
0x35: {  	s10 =	sld [smem:$0x3FAB];
	_ =	sdelay $0x3  }
0x36: {  	p1 =	seq.s32 s10, $0x1;
	s10 =	sld [smem:$0x3FAC];
	_ =	sdelay $0x3  }
0x37: {  	[smem:$0x3FAC] =	sst s10  }
0x38: {  	s10 =	sld [smem:$0x3FAD]  }
0x39: {  	_ = 	snop;
	(pc) =	sbr.ind lr, $3  }
0x3a: {  	_ = 	snop  }
0x3b: {  	_ = 	snop  }
0x3c: {  	p2 =	seq.s32 s10, $0x1;
	s10 =	sld [smem:$0x3FAC]  }
0x3d: {  	_ =	shalt  }
0x3e: {  	_ =	shalt  }
0x3f: {  	_ =	shalt  }
0x40: {  	_ =	shalt  }
0x41: {  	_ =	shalt  }
0x42: {  	_ =	shalt  }
0x43: {  	_ =	shalt  }
0x44: {  	_ =	shalt  }
0x45: {  	_ =	shalt  }
0x46: {  	_ =	shalt  }
0x47: {  	_ =	shalt  }
0x48: {  	_ =	shalt  }
0x49: {  	_ =	shalt  }
0x4a: {  	_ =	shalt  }
0x4b: {  	_ =	shalt  }
0x4c: {  	_ =	shalt  }
0x4d: {  	_ =	shalt  }
0x4e: {  	_ =	shalt  }
0x4f: {  	_ =	shalt  }
0x50: {  	_ =	shalt  }
0x51: {  	_ =	shalt  }
0x52: {  	_ =	shalt  }
0x53: {  	_ =	shalt  }
0x54: {  	_ =	shalt  }
0x55: {  	_ =	shalt  }
0x56: {  	_ =	shalt  }
0x57: {  	_ =	shalt  }
0x58: {  	_ =	shalt  }
0x59: {  	_ =	shalt  }
0x5a: {  	_ =	shalt  }
0x5b: {  	_ =	shalt  }
0x5c: {  	_ =	shalt  }
0x5d: {  	_ =	shalt  }
0x5e: {  	_ =	shalt  }
0x5f: {  	_ =	shalt  }
0x60: {  	_ =	shalt  }
0x61: {  	_ =	shalt  }
0x62: {  	_ =	shalt  }
0x63: {  	_ =	shalt  }
0x64: {  	_ =	shalt  }
0x65: {  	_ =	shalt  }
0x66: {  	_ =	shalt  }
0x67: {  	_ =	shalt  }
0x68: {  	_ =	shalt  }
0x69: {  	_ =	shalt  }
0x6a: {  	_ =	shalt  }
0x6b: {  	_ =	shalt  }
0x6c: {  	_ =	shalt  }
0x6d: {  	_ =	shalt  }
0x6e: {  	_ =	shalt  }
0x6f: {  	_ =	shalt  }
0x70: {  	_ =	shalt  }
0x71: {  	_ =	shalt  }
0x72: {  	_ =	shalt  }
0x73: {  	_ =	shalt  }
0x74: {  	_ =	shalt  }
0x75: {  	_ =	shalt  }
0x76: {  	_ =	shalt  }
0x77: {  	_ =	shalt  }
0x78: {  	_ =	shalt  }
0x79: {  	_ =	shalt  }
0x7a: {  	_ =	shalt  }
0x7b: {  	_ =	shalt  }
0x7c: {  	_ =	shalt  }
0x7d: {  	_ =	shalt  }
0x7e: {  	_ =	shalt  }
0x7f: {  	_ =	shalt  }
0x80: {  	_ =	shalt  }
0x81: {  	_ =	shalt  }
0x82: {  	_ =	shalt  }
0x83: {  	_ =	shalt  }
0x84: {  	_ =	shalt  }
0x85: {  	_ =	shalt  }
0x86: {  	_ =	shalt  }
0x87: {  	_ =	shalt  }
.Lfunc_end0:
.L_simem_size_0:
called_computation.1_lowered:
.L_overlay_start_0:
0x88: {  	s2 =	sld [smem:$0x3FD9]  }
0x89: {  	s3 =	sld [smem:$0x3FFE];
	_ =	sdelay $0x1  }
0x8a: {  	s1 =	srdreg.scid  }
0x8b: {  	s0 =	sand.u32 $0x1, s1  }
0x8c: {  	s16 =	sshll.u32 s0, $0xA;
	s2 =	sadd.s32 s3, s2  }
0x8d: {  	s2 =	sadd.s32 s2, s16  }
0x8e: {  	[smem:$0x3FB8] =	sst s2  }
0x8f: {  	_ = 	snop  }
0x90: {  	(tm) =	ssettm $0x1  }
0x91: {  	s17 =	sld [smem:$0x3FFB];
	_ =	sdelay $0x3  }
0x92: {  	_ =	strace s17  }
0x93: {  	s2 =	sld [smem:$0x3FFC];
	_ =	sdelay $0x3  }
0x94: {  	_ =	strace s2  }
0x95: {  	s2 =	sld [smem:$0x3FFD];
	_ =	sdelay $0x3  }
0x96: {  	_ =	strace s2  }
0x97: {  	_ =	strace $0x8FFFFFFF  }
0x98: {  	s18 =	sld [smem:$0x3FDB];
	_ =	sdelay $0x1  }
0x99: {  	s19 =	simm.s32 $_scs_section_size  }
0x9a: {  	s4 =	simm.s32 $_size__tile_overlayer_lowered;
	s5 =	simm.s32 $_tile_overlayer_lowered  }
0x9b: {  	s22 =	simm.s32 $0x1BFF;
	s21 =	sshll.u32 s5, $0x1;
	s2 =	sadd.s32 s19, s18  }
0x9c: {  	s6 =	simm.s32 $0x0;
	s20 =	sshll.u32 s4, $0x1;
	s4 =	sadd.s32 s21, s2  }
0x9d: {  	[timem:s6], [sflag:s22] =	dma.local [hbm:s4], s20  }
0x9e: {  	_ =	swait.ge [sflag:s22], s20  }
0x9f: {  	s3 =	ssub.s32 $0x0, s20;
	[sflag:s22] =	ssyncset.done $0x0  }
0xa0: {  	[sflag:s22] =	ssyncadd.s32 s3;
	_ =	sdelay $0x1  }
0xa1: {  	s23 =	simm.s32 $0x1B8B  }
0xa2: {  	_ =	swait.ge [sflag:s23], $0x1  }
0xa3: {  	[sflag:s23] =	ssyncset.done $0x0  }
0xa4: {  	s25 =	simm.s32 $0x1B8E;
	s24 =	sld [smem:$0x3FFE];
	[sflag:s23] =	ssyncadd.s32 $0xFFFFFFFF  }
0xa5: {  	s26 =	simm.s32 $execute0_lowered;
	[smem:$0x3FD2] =	sst s25  }
0xa6: {  	s4 =	sshll.u32 s26, $0x1;
	_ =	strace $0x80000049;
	[dreg:$0x1] =	wrdreg $0xFFFFFFFF  }
0xa7: {  	s28 =	simm.s32 $_size_execute0_lowered;
	s2 =	sadd.s32 s2, s4;
	[dreg:$0x0] =	wrdreg $0x0  }
0xa8: {  	s4 =	sshll.u32 s28, $0x1;
	[dreg:$0x2] =	wrdreg s2  }
0xa9: {  	[dreg:$0x3] =	wrdreg s4  }
0xaa: {  	[dreg:$0x4] =	wrdreg $0xC0  }
0xab: {  	_ =	task [dreg:s6], $0x5FFFF  }
0xac: {  	[dreg:$0x1] =	wrdreg $0xFFFFFFFF  }
0xad: {  	[dreg:$0x0] =	wrdreg $0x60  }
0xae: {  	[dreg:$0x2] =	wrdreg s24  }
0xaf: {  	[dreg:$0x3] =	wrdreg $0x88000  }
0xb0: {  	[dreg:$0x4] =	wrdreg $0x9  }
0xb1: {  	_ =	task.clear_ibuf [dreg:s6], $0x5FFFF;
	_ =	strace $0x90000049  }
0xb2: {  	s29 =	simm.s32 $0x9;
	_ =	strace $0x8000004B  }
0xb3: {  	_ =	swait.ge [sflag:s29], $0x1  }
0xb4: {  	[sflag:s29] =	ssyncadd.s32 $0xFFFFFFFF  }
0xb5: {  	_ =	strace $0x9000004B  }
0xb6: {  	_ =	sfence  }
0xb7: {  	s30 =	sld [smem:$0x0];
	_ =	sdelay $0x2  }
0xb8: {  	s31 =	sshll.u32 s1, $0xD;
	s1 =	sshrl.u32 s1, $0x2  }
0xb9: {  	s3 =	sand.u32 $0x4000, s31;
	s1 =	sadd.s32 s1, s30  }
0xba: {  	s0 =	sor.u32 s3, s0;
	s1 =	sshll.u32 s1, $0x11  }
0xbb: {  	s0 =	sor.u32 s1, s0  }
0xbc: {  	s0 =	sadd.s32 $0x8F2B, s0  }
0xbd: {  	[sflag:s0] =	ssyncadd.remote.s32 $0x1  }
0xbe: {  	_ =	sfence.sel $0xFFFF  }
0xbf: {  	[dreg:$0x0] =	wrdreg $0xFFFFFFFF;
	(pc) =	sbr.abs _section_cstart, $3  }
0xc0: {  	[dreg:$0x1] =	wrdreg $0xFFFFFFFF  }
0xc1: {  	_ =	task.clear_ibuf [dreg:s6], $0x2FFFF;
	_ =	strace $0x9FFFFFFF  }
0xc2: {  	(tm) =	ssettm $0x7FFFFFFF  }
0xc3: {  	_ =	shalt  }
tec
execute0_lowered:
.L_overlay_start_1:
0x0: {  	(tag) =	ssettag $0x1  }
0x1: {  	s1 =	srdreg.scid;
	s6 =	rddreg [dreg:$0x0]  }
0x2: {  	s0 =	stileid.u32;
	s2 =	rddreg [dreg:$0x1]  }
0x3: {  	s3 =	simm.s32 $0x0;
	s14 =	simm.s32 $0x40;
	s15 =	simm.s32 $0x2800  }
0x4: {  	s16 =	simm.s32 $0x3800;
	s17 =	simm.s32 $0x1;
	s18 =	simm.s32 $0x4800  }
0x5: {  	s19 =	simm.s32 $0x2;
	s20 =	simm.s32 $0x6800;
	s21 =	simm.s32 $0x0  }
0x6: {  	s5 =	sand.u32 $0x1, s1;
	s31 =	sshll.u32 s0, $0x1;
	s8 =	smul.u32 $0x14000, s0  }
0x7: {  	[smem:$0x7FF] =	sst s3;
	s4 =	sadd.s32 $0xF600, s6;
	s12 =	sshll.u32 s0, $0x6  }
0x8: {  	s1 =	sor.u32 s5, s31;
	s9 =	smul.u32 $0x140000, s5;
	s5 =	ssub.s32 $0x2, s5  }
0x9: {  	s12 =	sor.u32 $0x1C03, s12;
	s7 =	smul.u32 $0x280, s1;
	s1 =	rddreg [dreg:$0x2]  }
0xa: {  	_ =	strace $0x8000004A;
	s10 =	sshrl.u32 s8, $0x3;
	s11 =	sshrl.u32 s5, $0x1  }
0xb: {  	s13 =	sadd.s32 s8, s2;
	s9 =	sadd.s32 s8, s9;
	s10 =	sadd.s32 s10, s6  }
0xc: {  	s11 =	ssub.s32 s5, s11;
	s7 =	sadd.s32 s7, s6;
	s9 =	sshrl.u32 s9, $0x3  }
0xd: {  	s13 =	sshrl.u32 s13, $0x3;
	s9 =	sadd.s32 s9, s6;
	s5 =	sadd.s32 $0x5600, s7  }
0xe: {  	s6 =	sadd.s32 $0xA600, s7;
	s7 =	sadd.s32 $0x7D600, s10;
	s10 =	simm.s32 $0x3  }
0xf: {  	s8 =	sadd.s32 $0xA5600, s9;
	s9 =	smax.u32 s11, $0x1;
	s11 =	simm.s32 $0x1400  }
.LBB2_1:
0x10: {  	[tilespmem:s3], [sflag:$0x3] =	stream.linear.gather [hbm4b:s5+s3], $0x1400, $0x38;
	[tilespmem:$0x1C800] =	vst v63  }
0x11: {  	_ =	swait.ge [sflag:s10], $0x1400  }
0x12: {  	[sflag:s10] =	ssyncset.done $0x0  }
0x13: {  	[sflag:s10] =	ssyncadd.s32 $0xFFFFEC00  }
0x14: {  	[tilespmem:s11], [sflag:$0x3] =	stream.linear.gather [hbm4b:s6+s3], $0x1400, $0x38;
	[tilespmem:$0x1C800] =	vst v63  }
0x15: {  	_ =	swait.ge [sflag:s10], $0x1400  }
0x16: {  	[sflag:s10] =	ssyncset.done $0x0  }
0x17: {  	[sflag:s10] =	ssyncadd.s32 $0xFFFFEC00  }
0x18: {  	[spmem:s13], [sflag:s12] =	dma.local [hbm:s7], $0x2800  }
0x19: {  	_ =	swait.ge [sflag:s10], $0x2800  }
0x1a: {  	[sflag:s10] =	ssyncset.done $0x0  }
0x1b: {  	[sflag:s10] =	ssyncadd.s32 $0xFFFFD800  }
0x1c: {  	[bflag:$0x0] =	sbarrier.arrive $0xFFFF  }
0x1d: {  	[tilespmem:s15], [sflag:$0x1] =	stream.indirect.gather [hbm4b:s4+s14], $0x40, s3, s14, $0xb8;
	[tilespmem:$0x1C800] =	vst v63  }
0x1e: {  	s22 =	simm.s32 $0x0  }
0x1f: {  	[tilespmem:s16], [sflag:$0x2] =	stream.indirect.gather [hbm4b:s4+s14], $0x40, s14, s14, $0xb8;
	[tilespmem:$0x1C800] =	vst v63  }
.LBB2_2:
0x20: {  	_ =	swait.ge [sflag:s17], $0x1000  }
0x21: {  	[sflag:s17] =	ssyncset.done $0x0  }
0x22: {  	s24 =	simm.s32 $0x0;
	[sflag:s17] =	ssyncadd.s32 $0xFFFFF000  }
0x23: {  	v0 =	vld [tilespmem:s24+$0x2800];
	_ =	sdelay $0x4  }
0x24: {  	s23 =	simm.s32 $0x4840;
	v1 =	vshll.u32 v0, $0x10  }
0x25: {  	v0 =	vand.u32 $0xFFFF0000, v0;
	[tilespmem:s23+$0xFFFFFFC0] =	vst v1  }
0x26: {  	[tilespmem:s23+$0xFFFFFFD0] =	vst v0  }
0x27: {  	v0 =	vld [tilespmem:s24+$0x2810];
	_ =	sdelay $0x4  }
0x28: {  	v1 =	vshll.u32 v0, $0x10  }
0x29: {  	v0 =	vand.u32 $0xFFFF0000, v0;
	[tilespmem:s23+$0xFFFFFFE0] =	vst v1  }
0x2a: {  	[tilespmem:s23+$0xFFFFFFF0] =	vst v0  }
0x2b: {  	v0 =	vld [tilespmem:s24+$0x2820];
	_ =	sdelay $0x4  }
0x2c: {  	v1 =	vand.u32 $0xFFFF0000, v0  }
0x2d: {  	v0 =	vshll.u32 v0, $0x10;
	[tilespmem:s23+$0x10] =	vst v1  }
0x2e: {  	[tilespmem:s23+$0x0] =	vst v0  }
0x2f: {  	v0 =	vld [tilespmem:s24+$0x2830];
	_ =	sdelay $0x4  }
0x30: {  	v1 =	vshll.u32 v0, $0x10  }
0x31: {  	v0 =	vand.u32 $0xFFFF0000, v0;
	[tilespmem:s23+$0x20] =	vst v1  }
0x32: {  	s24 =	simm.s32 $0x40;
	[tilespmem:s23+$0x30] =	vst v0  }
0x33: {  	v0 =	vld [tilespmem:s24+$0x2800]  }
0x34: {  	s25 =	simm.s32 $0x200  }
.LBB2_3:
0x35: {  	p0 =	sne.s32 s25, $0x3F00;
	_ =	sdelay $0x2  }
0x36: {  	s23 =	sadd.s32 $0x80, s23;
	v1 =	vshll.u32 v0, $0x10  }
0x37: {  	v0 =	vand.u32 $0xFFFF0000, v0;
	[tilespmem:s23+$0xFFFFFFC0] =	vst v1  }
0x38: {  	[tilespmem:s23+$0xFFFFFFD0] =	vst v0  }
0x39: {  	v0 =	vld [tilespmem:s24+$0x2810];
	_ =	sdelay $0x4  }
0x3a: {  	v1 =	vshll.u32 v0, $0x10  }
0x3b: {  	v0 =	vand.u32 $0xFFFF0000, v0;
	[tilespmem:s23+$0xFFFFFFE0] =	vst v1  }
0x3c: {  	[tilespmem:s23+$0xFFFFFFF0] =	vst v0  }
0x3d: {  	v0 =	vld [tilespmem:s24+$0x2820];
	_ =	sdelay $0x4  }
0x3e: {  	v1 =	vshll.u32 v0, $0x10;
	v0 =	vand.u32 $0xFFFF0000, v0  }
0x3f: {  	[tilespmem:s23+$0x10] =	vst v0  }
0x40: {  	[tilespmem:s23+$0x0] =	vst v1  }
0x41: {  	v0 =	vld [tilespmem:s24+$0x2830];
	_ =	sdelay $0x4  }
.Ltmp0:
0x42: {  	v1 =	vshll.u32 v0, $0x10;
	v0 =	vand.u32 $0xFFFF0000, v0;
	(pc) =	sbr.rel @p0 .LBB2_3-.Ltmp0, $4  }
0x43: {  	[tilespmem:s23+$0x20] =	vst v1  }
0x44: {  	s24 =	sshra.s32 s25, $0x2;
	[tilespmem:s23+$0x30] =	vst v0  }
0x45: {  	v0 =	vld [tilespmem:s24+$0x2800]  }
0x46: {  	s25 =	sadd.s32 $0x100, s25  }
0x47: {  	_ =	sdelay $0x2  }
0x48: {  	s25 =	sadd.s32 $0x80, s23;
	v1 =	vshll.u32 v0, $0x10  }
0x49: {  	v0 =	vand.u32 $0xFFFF0000, v0;
	[tilespmem:s25+$0xFFFFFFC0] =	vst v1  }
0x4a: {  	[tilespmem:s25+$0xFFFFFFD0] =	vst v0  }
0x4b: {  	v0 =	vld [tilespmem:s24+$0x2810];
	_ =	sdelay $0x4  }
0x4c: {  	v1 =	vshll.u32 v0, $0x10  }
0x4d: {  	v0 =	vand.u32 $0xFFFF0000, v0;
	[tilespmem:s25+$0xFFFFFFE0] =	vst v1  }
0x4e: {  	[tilespmem:s25+$0xFFFFFFF0] =	vst v0  }
0x4f: {  	v0 =	vld [tilespmem:s24+$0x2820];
	_ =	sdelay $0x4  }
0x50: {  	v1 =	vand.u32 $0xFFFF0000, v0  }
0x51: {  	v0 =	vshll.u32 v0, $0x10;
	[tilespmem:s25+$0x10] =	vst v1  }
0x52: {  	[tilespmem:s25+$0x0] =	vst v0  }
0x53: {  	v0 =	vld [tilespmem:s24+$0x2830];
	_ =	sdelay $0x4  }
0x54: {  	p0 =	seq.s32 s22, $0x27;
	s24 =	sshll.u32 s22, $0x9;
	v1 =	vshll.u32 v0, $0x10  }
0x55: {  	s26 =	simm.s32 @!p0 $0x40;
	s23 =	sshrl.u32 @!p0 s24, $0x2;
	v0 =	vand.u32 $0xFFFF0000, v0;
	[tilespmem:s25+$0x20] =	vst v1  }
0x56: {  	s28 =	simm.s32 @!p0 $0x2800;
	s24 =	sshrl.u32 s24, $0x2;
	[tilespmem:s25+$0x30] =	vst v0;
	s25 =	sadd.s32 @!p0 $0x80, s23  }
0x57: {  	[tilespmem:s28], [sflag:$0x1] =	stream.indirect.gather @!p0 [hbm4b:s4+s26], $0x40, s25, s26, $0xb8;
	[tilespmem:$0x1C800] =	vst v63  }
0x58: {  	s30 =	sadd.s32 $0x1400, s24  }
0x59: {  	[spmem:s2] =	stream.indirect.scatter.add.f32 [tilespmem:s18], [sflag:$0x3], $0x80, s30, s14, $0xb8;
	[tilespmem:$0x1C800] =	vst v63  }
0x5a: {  	_ =	swait.ge [sflag:s10], $0x2000  }
0x5b: {  	[sflag:s10] =	ssyncset.done $0x0  }
0x5c: {  	[sflag:s10] =	ssyncadd.s32 $0xFFFFE000  }
0x5d: {  	_ =	swait.ge [sflag:s19], $0x1000  }
0x5e: {  	[sflag:s19] =	ssyncset.done $0x0  }
0x5f: {  	s31 =	simm.s32 $0x0;
	[sflag:s19] =	ssyncadd.s32 $0xFFFFF000  }
0x60: {  	v0 =	vld [tilespmem:s31+$0x3800];
	_ =	sdelay $0x4  }
0x61: {  	s25 =	simm.s32 $0x6870;
	v1 =	vshll.u32 v0, $0x10  }
0x62: {  	v0 =	vand.u32 $0xFFFF0000, v0;
	[tilespmem:s25+$0xFFFFFF90] =	vst v1  }
0x63: {  	[tilespmem:s25+$0xFFFFFFA0] =	vst v0  }
0x64: {  	v0 =	vld [tilespmem:s31+$0x3810];
	_ =	sdelay $0x4  }
0x65: {  	v1 =	vshll.u32 v0, $0x10  }
0x66: {  	v0 =	vand.u32 $0xFFFF0000, v0;
	[tilespmem:s25+$0xFFFFFFB0] =	vst v1  }
0x67: {  	[tilespmem:s25+$0xFFFFFFC0] =	vst v0  }
0x68: {  	v0 =	vld [tilespmem:s31+$0x3820];
	_ =	sdelay $0x4  }
0x69: {  	v1 =	vand.u32 $0xFFFF0000, v0  }
0x6a: {  	v0 =	vshll.u32 v0, $0x10;
	[tilespmem:s25+$0xFFFFFFE0] =	vst v1  }
0x6b: {  	[tilespmem:s25+$0xFFFFFFD0] =	vst v0  }
0x6c: {  	v0 =	vld [tilespmem:s31+$0x3830];
	_ =	sdelay $0x4  }
0x6d: {  	v1 =	vshll.u32 v0, $0x10  }
0x6e: {  	v0 =	vand.u32 $0xFFFF0000, v0;
	[tilespmem:s25+$0xFFFFFFF0] =	vst v1  }
0x6f: {  	s26 =	simm.s32 $0x40;
	[tilespmem:s25+$0x0] =	vst v0  }
0x70: {  	v0 =	vld [tilespmem:s26+$0x3800]  }
0x71: {  	s28 =	simm.s32 $0x200  }
.LBB2_5:
0x72: {  	p1 =	sne.s32 s28, $0x3F00;
	_ =	sdelay $0x2  }
0x73: {  	s25 =	sadd.s32 $0x80, s25;
	v1 =	vshll.u32 v0, $0x10  }
0x74: {  	v0 =	vand.u32 $0xFFFF0000, v0;
	[tilespmem:s25+$0xFFFFFF90] =	vst v1  }
0x75: {  	[tilespmem:s25+$0xFFFFFFA0] =	vst v0  }
0x76: {  	v0 =	vld [tilespmem:s26+$0x3810];
	_ =	sdelay $0x4  }
0x77: {  	v1 =	vshll.u32 v0, $0x10  }
0x78: {  	v0 =	vand.u32 $0xFFFF0000, v0;
	[tilespmem:s25+$0xFFFFFFB0] =	vst v1  }
0x79: {  	[tilespmem:s25+$0xFFFFFFC0] =	vst v0  }
0x7a: {  	v0 =	vld [tilespmem:s26+$0x3820];
	_ =	sdelay $0x4  }
0x7b: {  	v1 =	vshll.u32 v0, $0x10;
	v0 =	vand.u32 $0xFFFF0000, v0  }
0x7c: {  	[tilespmem:s25+$0xFFFFFFE0] =	vst v0  }
0x7d: {  	[tilespmem:s25+$0xFFFFFFD0] =	vst v1  }
0x7e: {  	v0 =	vld [tilespmem:s26+$0x3830];
	_ =	sdelay $0x4  }
.Ltmp1:
0x7f: {  	v1 =	vshll.u32 v0, $0x10;
	v0 =	vand.u32 $0xFFFF0000, v0;
	(pc) =	sbr.rel @p1 .LBB2_5-.Ltmp1, $4  }
0x80: {  	[tilespmem:s25+$0xFFFFFFF0] =	vst v1  }
0x81: {  	s26 =	sshra.s32 s28, $0x2;
	[tilespmem:s25+$0x0] =	vst v0  }
0x82: {  	v0 =	vld [tilespmem:s26+$0x3800]  }
0x83: {  	s28 =	sadd.s32 $0x100, s28  }
0x84: {  	_ =	sdelay $0x2  }
0x85: {  	s25 =	sadd.s32 $0x80, s25;
	v1 =	vshll.u32 v0, $0x10  }
0x86: {  	v60 =	vand.u32 $0xFFFF0000, v0;
	[tilespmem:s25+$0xFFFFFF90] =	vst v1  }
0x87: {  	[tilespmem:s25+$0xFFFFFFA0] =	vst v60  }
0x88: {  	v0 =	vld [tilespmem:s26+$0x3810];
	_ =	sdelay $0x4  }
0x89: {  	v61 =	vshll.u32 v0, $0x10  }
0x8a: {  	v0 =	vand.u32 $0xFFFF0000, v0;
	[tilespmem:s25+$0xFFFFFFB0] =	vst v61  }
0x8b: {  	[tilespmem:s25+$0xFFFFFFC0] =	vst v0  }
0x8c: {  	v0 =	vld [tilespmem:s26+$0x3820];
	_ =	sdelay $0x4  }
0x8d: {  	v62 =	vand.u32 $0xFFFF0000, v0  }
0x8e: {  	v0 =	vshll.u32 v0, $0x10;
	[tilespmem:s25+$0xFFFFFFE0] =	vst v62  }
0x8f: {  	[tilespmem:s25+$0xFFFFFFD0] =	vst v0  }
0x90: {  	v0 =	vld [tilespmem:s26+$0x3830];
	_ =	sdelay $0x4  }
0x91: {  	v63 =	vshll.u32 v0, $0x10  }
0x92: {  	s23 =	sadd.s32 @!p0 $0xC0, s23;
	v0 =	vand.u32 $0xFFFF0000, v0;
	[tilespmem:s25+$0xFFFFFFF0] =	vst v63  }
0x93: {  	s22 =	sadd.s32 $0x1, s22;
	s26 =	simm.s32 @!p0 $0x3800;
	[tilespmem:s25+$0x0] =	vst v0;
	s25 =	simm.s32 @!p0 $0x40  }
0x94: {  	[tilespmem:s26], [sflag:$0x2] =	stream.indirect.gather @!p0 [hbm4b:s4+s25], $0x40, s23, s25, $0xb8;
	[tilespmem:$0x1C800] =	vst v63  }
0x95: {  	p0 =	sne.s32 s22, $0x28  }
.Ltmp2:
0x96: {  	s31 =	sadd.s32 $0x1440, s24;
	(pc) =	sbr.rel @p0 .LBB2_2-.Ltmp2, $4  }
0x97: {  	[spmem:s2] =	stream.indirect.scatter.add.f32 [tilespmem:s20], [sflag:$0x3], $0x80, s31, s14, $0xb8;
	[tilespmem:$0x1C800] =	vst v63  }
0x98: {  	_ =	swait.ge [sflag:s10], $0x2000  }
0x99: {  	[sflag:s10] =	ssyncset.done $0x0  }
0x9a: {  	[sflag:s10] =	ssyncadd.s32 $0xFFFFE000  }
0x9b: {  	s21 =	sadd.s32 $0x1, s21  }
0x9c: {  	p0 =	sne.s32 s21, s9  }
.Ltmp3:
0x9d: {  	[bflag:$0x0] =	sbarrier.arrive $0xFFFF;
	(pc) =	sbr.rel @p0 .LBB2_1-.Ltmp3, $4  }
0x9e: {  	[hbm:s8], [sflag:s12] =	dma.local [spmem:s13], $0x2800  }
0x9f: {  	_ =	swait.ge [sflag:s10], $0x2800  }
0xa0: {  	[sflag:s10] =	ssyncset.done $0x0  }
0xa1: {  	[sflag:s10] =	ssyncadd.s32 $0xFFFFD800  }
0xa2: {  	_ =	sfence.sel $0x180000  }
0xa3: {  	[bflag:$0x0] =	sbarrier.arrive $0xFFFF  }
0xa4: {  	p0 =	sne.s32 s0, $0x0;
	_ =	strace $0x9000004A  }
0xa5: {  	s0 =	sadd.s32 @!p0 $0x100000, s1;
	[bflag:$0x2] =	sbarrier.arrive $0xFFFF  }
0xa6: {  	[sflag:s0] =	ssyncadd.tile.s32 @!p0 $0x1;
	_ =	shalt  }
.Lfunc_end2:
_tile_overlayer_lowered:
.L_overlay_start_2:
0xa7: {  	(tag) =	ssettag $0x2  }
0xa8: {  	s0 =	rddreg [dreg:$0x0];
	s2 =	stileid.u32  }
0xa9: {  	s1 =	rddreg [dreg:$0x1];
	p0 =	sne.s32 s2, $0x0  }
0xaa: {  	s3 =	rddreg [dreg:$0x2];
	[bflag:$0x3] =	sbarrier.arrive $0xFFFF;
	s2 =	simm.s32 @!p0 $0x1C03  }
0xab: {  	[timem:s3], [sflag:s2] =	dma.local @!p0 [hbm:s0], s1  }
0xac: {  	s0 =	simm.s32 @!p0 $0x3  }
0xad: {  	_ =	swait.ge @!p0 [sflag:s0], s1  }
0xae: {  	s1 =	ssub.s32 @!p0 $0x0, s1;
	[sflag:s0] =	ssyncset.done @!p0 $0x0  }
0xaf: {  	[sflag:s0] =	ssyncadd.s32 @!p0 s1  }
0xb0: {  	[bflag:$0x3] =	sbarrier.arrive $0xFFFF  }
0xb1: {  	_ =	shalt  }

// kernel: kernel.7.cloned.1.call-start
scs
__scs_entry_jumppad:
0x0: {  	(pc) =	sbr.rel $0x88, $3  }
0x1: {  	(tag) =	ssettag $0x0;
	lr =	simm.s32 $0x1  }
0x2: {  	[smem:$0x3F91] =	sst lr;
	_ =	strace $0xD0000000  }
0x3: {  	_ = 	snop  }
0x4: {  	_ = 	snop  }
0x5: {  	_ = 	snop  }
0x6: {  	_ = 	snop  }
0x7: {  	_ = 	snop  }
__scs_overlays_trampoline_lowered:
0x8: {  	[smem:$0x3FA0] =	sst s0  }
0x9: {  	[smem:$0x3FA1] =	sst s1  }
0xa: {  	[smem:$0x3FA2] =	sst s2  }
0xb: {  	[smem:$0x3FA3] =	sst s3  }
0xc: {  	[smem:$0x3FA4] =	sst s4  }
0xd: {  	[smem:$0x3FA5] =	sst s5  }
0xe: {  	[smem:$0x3FA6] =	sst s6  }
0xf: {  	[smem:$0x3FA7] =	sst s7  }
0x10: {  	[smem:$0x3FA8] =	sst s8  }
0x11: {  	[smem:$0x3FA9] =	sst s9;
	s0 =	simm.s32 @!p0 $0x0  }
0x12: {  	s1 =	sld [smem:$0x3F8F];
	s0 =	simm.s32 @p0 $0x1  }
0x13: {  	[smem:$0x3FAA] =	sst s0;
	s0 =	simm.s32 @!p1 $0x0  }
0x14: {  	s2 =	sld [smem:$0x3F8E];
	s0 =	simm.s32 @p1 $0x1  }
0x15: {  	[smem:$0x3FAB] =	sst s0;
	s0 =	simm.s32 @!p2 $0x0  }
0x16: {  	s3 =	sld [smem:$0x3FDB];
	s0 =	simm.s32 @p2 $0x1  }
0x17: {  	s4 =	simm.s32 $0x1BF5;
	[smem:$0x3FAD] =	sst s0  }
0x18: {  	s0 =	sld [smem:$0x3F90];
	_ =	swait.ge [sflag:s4], $0x0  }
0x19: {  	s7 =	sld [smem:$0x3F91]  }
0x1a: {  	s8 =	sadd.s32 $0xFFFFE003, lr  }
0x1b: {  	s9 =	sadd.s32 $0xFFFFFEF7, lr;
	s5 =	simm.s32 $0xFFFFFFFF;
	p2 =	slt.u32 s8, $0xFFFFF086  }
0x1c: {  	p1 =	slt.u32 s9, $0xF7A;
	s5 =	simm.s32 @!p2 $0x0  }
0x1d: {  	s5 =	simm.s32 @p1 $0x1;
	p0 =	seq.s32 s7, s2  }
0x1e: {  	s7 =	smul.u32 @!p0 $0xF7A, s2;
	p2 =	seq.s32 @!p0 s5, $0x0  }
0x1f: {  	s9 =	smul.u32 $0xF7A, s1;
	s8 =	simm.s32 @!p0 $0x1BF5;
	p2 =	por !p2, p0  }
0x20: {  	[sflag:s8] =	ssyncset.s32 @!p0 $0xFFFFF086;
	s6 =	sadd.s32 @!p0 s3, s7;
	s7 =	simm.s32 @!p0 $0x108  }
0x21: {  	s3 =	sadd.s32 s3, s9;
	s6 =	sadd.s32 @!p0 $0x88, s6;
	s7 =	simm.s32 @p2 $0x1082  }
0x22: {  	[simem:s7], [sflag:s8] =	dma.local @!p0 [hbm:s6], $0xF7A  }
0x23: {  	s9 =	sor.u32 $0xD0000000, s2;
	s6 =	simm.s32 $0x108;
	_ =	swait.ge @!p0 [sflag:s8], $0x0  }
0x24: {  	s3 =	sadd.s32 $0x88, s3;
	s6 =	simm.s32 @!p1 $0x1082;
	[sflag:s4] =	ssyncset.s32 $0xFFFFF086  }
0x25: {  	[simem:s6], [sflag:s4] =	dma.local [hbm:s3], $0xF7A  }
0x26: {  	[smem:$0x3F91] =	sst s1;
	(tag) =	ssettag s2;
	_ =	strace s9  }
0x27: {  	s1 =	sld [smem:$0x3FA1]  }
0x28: {  	s2 =	sld [smem:$0x3FA2]  }
0x29: {  	s4 =	sld [smem:$0x3FA4]  }
0x2a: {  	p0 =	seq.s32 s5, $0x0;
	s5 =	sld [smem:$0x3FA5]  }
0x2b: {  	s6 =	sld [smem:$0x3FA6]  }
0x2c: {  	s7 =	sld [smem:$0x3FA7]  }
0x2d: {  	s3 =	simm.s32 $0x108;
	s8 =	sld [smem:$0x3FA8]  }
0x2e: {  	s3 =	simm.s32 @!p0 $0x1082;
	s9 =	sld [smem:$0x3FA9]  }
0x2f: {  	lr =	sadd.s32 s0, s3;
	s0 =	sld [smem:$0x3FA0]  }
0x30: {  	s3 =	sld [smem:$0x3FA3]  }
0x31: {  	[smem:$0x3FAC] =	sst s10  }
0x32: {  	s10 =	sld [smem:$0x3FAA];
	_ =	sdelay $0x3  }
0x33: {  	p0 =	seq.s32 s10, $0x1;
	s10 =	sld [smem:$0x3FAC];
	_ =	sdelay $0x3  }
0x34: {  	[smem:$0x3FAC] =	sst s10  }
0x35: {  	s10 =	sld [smem:$0x3FAB];
	_ =	sdelay $0x3  }
0x36: {  	p1 =	seq.s32 s10, $0x1;
	s10 =	sld [smem:$0x3FAC];
	_ =	sdelay $0x3  }
0x37: {  	[smem:$0x3FAC] =	sst s10  }
0x38: {  	s10 =	sld [smem:$0x3FAD]  }
0x39: {  	_ = 	snop;
	(pc) =	sbr.ind lr, $3  }
0x3a: {  	_ = 	snop  }
0x3b: {  	_ = 	snop  }
0x3c: {  	p2 =	seq.s32 s10, $0x1;
	s10 =	sld [smem:$0x3FAC]  }
0x3d: {  	_ =	shalt  }
0x3e: {  	_ =	shalt  }
0x3f: {  	_ =	shalt  }
0x40: {  	_ =	shalt  }
0x41: {  	_ =	shalt  }
0x42: {  	_ =	shalt  }
0x43: {  	_ =	shalt  }
0x44: {  	_ =	shalt  }
0x45: {  	_ =	shalt  }
0x46: {  	_ =	shalt  }
0x47: {  	_ =	shalt  }
0x48: {  	_ =	shalt  }
0x49: {  	_ =	shalt  }
0x4a: {  	_ =	shalt  }
0x4b: {  	_ =	shalt  }
0x4c: {  	_ =	shalt  }
0x4d: {  	_ =	shalt  }
0x4e: {  	_ =	shalt  }
0x4f: {  	_ =	shalt  }
0x50: {  	_ =	shalt  }
0x51: {  	_ =	shalt  }
0x52: {  	_ =	shalt  }
0x53: {  	_ =	shalt  }
0x54: {  	_ =	shalt  }
0x55: {  	_ =	shalt  }
0x56: {  	_ =	shalt  }
0x57: {  	_ =	shalt  }
0x58: {  	_ =	shalt  }
0x59: {  	_ =	shalt  }
0x5a: {  	_ =	shalt  }
0x5b: {  	_ =	shalt  }
0x5c: {  	_ =	shalt  }
0x5d: {  	_ =	shalt  }
0x5e: {  	_ =	shalt  }
0x5f: {  	_ =	shalt  }
0x60: {  	_ =	shalt  }
0x61: {  	_ =	shalt  }
0x62: {  	_ =	shalt  }
0x63: {  	_ =	shalt  }
0x64: {  	_ =	shalt  }
0x65: {  	_ =	shalt  }
0x66: {  	_ =	shalt  }
0x67: {  	_ =	shalt  }
0x68: {  	_ =	shalt  }
0x69: {  	_ =	shalt  }
0x6a: {  	_ =	shalt  }
0x6b: {  	_ =	shalt  }
0x6c: {  	_ =	shalt  }
0x6d: {  	_ =	shalt  }
0x6e: {  	_ =	shalt  }
0x6f: {  	_ =	shalt  }
0x70: {  	_ =	shalt  }
0x71: {  	_ =	shalt  }
0x72: {  	_ =	shalt  }
0x73: {  	_ =	shalt  }
0x74: {  	_ =	shalt  }
0x75: {  	_ =	shalt  }
0x76: {  	_ =	shalt  }
0x77: {  	_ =	shalt  }
0x78: {  	_ =	shalt  }
0x79: {  	_ =	shalt  }
0x7a: {  	_ =	shalt  }
0x7b: {  	_ =	shalt  }
0x7c: {  	_ =	shalt  }
0x7d: {  	_ =	shalt  }
0x7e: {  	_ =	shalt  }
0x7f: {  	_ =	shalt  }
0x80: {  	_ =	shalt  }
0x81: {  	_ =	shalt  }
0x82: {  	_ =	shalt  }
0x83: {  	_ =	shalt  }
0x84: {  	_ =	shalt  }
0x85: {  	_ =	shalt  }
0x86: {  	_ =	shalt  }
0x87: {  	_ =	shalt  }
.Lfunc_end0:
.L_simem_size_0:
called_computation_lowered:
.L_overlay_start_0:
0x88: {  	s2 =	sld [smem:$0x3FD9]  }
0x89: {  	s3 =	sld [smem:$0x3FFE];
	_ =	sdelay $0x1  }
0x8a: {  	s1 =	srdreg.scid  }
0x8b: {  	s0 =	sand.u32 $0x1, s1  }
0x8c: {  	s16 =	sshll.u32 s0, $0xA;
	s2 =	sadd.s32 s3, s2  }
0x8d: {  	s2 =	sadd.s32 s2, s16  }
0x8e: {  	[smem:$0x3FB8] =	sst s2  }
0x8f: {  	_ = 	snop  }
0x90: {  	(tm) =	ssettm $0x1  }
0x91: {  	s17 =	sld [smem:$0x3FFB];
	_ =	sdelay $0x3  }
0x92: {  	_ =	strace s17  }
0x93: {  	s2 =	sld [smem:$0x3FFC];
	_ =	sdelay $0x3  }
0x94: {  	_ =	strace s2  }
0x95: {  	s2 =	sld [smem:$0x3FFD];
	_ =	sdelay $0x3  }
0x96: {  	_ =	strace s2  }
0x97: {  	_ =	strace $0x8FFFFFFF  }
0x98: {  	s18 =	sld [smem:$0x3FDB];
	_ =	sdelay $0x1  }
0x99: {  	s19 =	simm.s32 $_scs_section_size  }
0x9a: {  	s4 =	simm.s32 $_size__tile_overlayer_lowered;
	s5 =	simm.s32 $_tile_overlayer_lowered  }
0x9b: {  	s22 =	simm.s32 $0x1BFF;
	s21 =	sshll.u32 s5, $0x1;
	s2 =	sadd.s32 s19, s18  }
0x9c: {  	s6 =	simm.s32 $0x0;
	s20 =	sshll.u32 s4, $0x1;
	s4 =	sadd.s32 s21, s2  }
0x9d: {  	[timem:s6], [sflag:s22] =	dma.local [hbm:s4], s20  }
0x9e: {  	_ =	swait.ge [sflag:s22], s20  }
0x9f: {  	s3 =	ssub.s32 $0x0, s20;
	[sflag:s22] =	ssyncset.done $0x0  }
0xa0: {  	[sflag:s22] =	ssyncadd.s32 s3;
	_ =	sdelay $0x1  }
0xa1: {  	s23 =	simm.s32 $0x1B8B  }
0xa2: {  	_ =	swait.ge [sflag:s23], $0x1  }
0xa3: {  	[sflag:s23] =	ssyncset.done $0x0  }
0xa4: {  	s25 =	simm.s32 $0x1B8E;
	s24 =	sld [smem:$0x3FFE];
	[sflag:s23] =	ssyncadd.s32 $0xFFFFFFFF  }
0xa5: {  	s26 =	simm.s32 $execute0_lowered;
	[smem:$0x3FD2] =	sst s25  }
0xa6: {  	s4 =	sshll.u32 s26, $0x1;
	_ =	strace $0x80000046;
	[dreg:$0x1] =	wrdreg $0xFFFFFFFF  }
0xa7: {  	s28 =	simm.s32 $_size_execute0_lowered;
	s2 =	sadd.s32 s2, s4;
	[dreg:$0x0] =	wrdreg $0x0  }
0xa8: {  	s4 =	sshll.u32 s28, $0x1;
	[dreg:$0x2] =	wrdreg s2  }
0xa9: {  	[dreg:$0x3] =	wrdreg s4  }
0xaa: {  	[dreg:$0x4] =	wrdreg $0xC0  }
0xab: {  	_ =	task [dreg:s6], $0x5FFFF  }
0xac: {  	[dreg:$0x1] =	wrdreg $0xFFFFFFFF  }
0xad: {  	[dreg:$0x0] =	wrdreg $0x60  }
0xae: {  	[dreg:$0x2] =	wrdreg s24  }
0xaf: {  	[dreg:$0x3] =	wrdreg $0x58000  }
0xb0: {  	[dreg:$0x4] =	wrdreg $0x9  }
0xb1: {  	_ =	task.clear_ibuf [dreg:s6], $0x5FFFF;
	_ =	strace $0x90000046  }
0xb2: {  	s29 =	simm.s32 $0x9;
	_ =	strace $0x80000048  }
0xb3: {  	_ =	swait.ge [sflag:s29], $0x1  }
0xb4: {  	[sflag:s29] =	ssyncadd.s32 $0xFFFFFFFF  }
0xb5: {  	_ =	strace $0x90000048  }
0xb6: {  	_ =	sfence  }
0xb7: {  	s30 =	sld [smem:$0x0];
	_ =	sdelay $0x2  }
0xb8: {  	s31 =	sshll.u32 s1, $0xD;
	s1 =	sshrl.u32 s1, $0x2  }
0xb9: {  	s3 =	sand.u32 $0x4000, s31;
	s1 =	sadd.s32 s1, s30  }
0xba: {  	s0 =	sor.u32 s3, s0;
	s1 =	sshll.u32 s1, $0x11  }
0xbb: {  	s0 =	sor.u32 s1, s0  }
0xbc: {  	s0 =	sadd.s32 $0x8F2B, s0  }
0xbd: {  	[sflag:s0] =	ssyncadd.remote.s32 $0x1  }
0xbe: {  	_ =	sfence.sel $0xFFFF  }
0xbf: {  	[dreg:$0x0] =	wrdreg $0xFFFFFFFF;
	(pc) =	sbr.abs _section_cstart, $3  }
0xc0: {  	[dreg:$0x1] =	wrdreg $0xFFFFFFFF  }
0xc1: {  	_ =	task.clear_ibuf [dreg:s6], $0x2FFFF;
	_ =	strace $0x9FFFFFFF  }
0xc2: {  	(tm) =	ssettm $0x7FFFFFFF  }
0xc3: {  	_ =	shalt  }
tec
execute0_lowered:
.L_overlay_start_1:
0x0: {  	(tag) =	ssettag $0x1  }
0x1: {  	s1 =	srdreg.scid;
	s6 =	rddreg [dreg:$0x0]  }
0x2: {  	s0 =	stileid.u32;
	s2 =	rddreg [dreg:$0x1]  }
0x3: {  	s3 =	simm.s32 $0x0;
	s14 =	simm.s32 $0x80;
	s15 =	simm.s32 $0x2800  }
0x4: {  	s16 =	simm.s32 $0x3000;
	s17 =	simm.s32 $0x1;
	s18 =	simm.s32 $0x3800  }
0x5: {  	s19 =	simm.s32 $0x2;
	s20 =	simm.s32 $0x4800;
	s21 =	simm.s32 $0x0  }
0x6: {  	s5 =	sand.u32 $0x1, s1;
	s31 =	sshll.u32 s0, $0x1;
	s8 =	smul.u32 $0x5000, s0  }
0x7: {  	[smem:$0x7FF] =	sst s3;
	s4 =	sadd.s32 $0x600, s6;
	s12 =	sshll.u32 s0, $0x6  }
0x8: {  	s1 =	sor.u32 s5, s31;
	s9 =	smul.u32 $0x50000, s5;
	s5 =	ssub.s32 $0x2, s5  }
0x9: {  	s12 =	sor.u32 $0x1C03, s12;
	s7 =	smul.u32 $0x280, s1;
	s1 =	rddreg [dreg:$0x2]  }
0xa: {  	_ =	strace $0x80000047;
	s10 =	sshrl.u32 s8, $0x3;
	s11 =	sshrl.u32 s5, $0x1  }
0xb: {  	s13 =	sadd.s32 s8, s2;
	s9 =	sadd.s32 s8, s9;
	s10 =	sadd.s32 s10, s6  }
0xc: {  	s11 =	ssub.s32 s5, s11;
	s7 =	sadd.s32 s7, s6;
	s9 =	sshrl.u32 s9, $0x3  }
0xd: {  	s13 =	sshrl.u32 s13, $0x3;
	s9 =	sadd.s32 s9, s6;
	s5 =	sadd.s32 $0x5600, s7  }
0xe: {  	s6 =	sadd.s32 $0xA600, s7;
	s7 =	sadd.s32 $0xF600, s10;
	s10 =	simm.s32 $0x3  }
0xf: {  	s8 =	sadd.s32 $0x19600, s9;
	s9 =	smax.u32 s11, $0x1;
	s11 =	simm.s32 $0x1400  }
.LBB2_1:
0x10: {  	[tilespmem:s3], [sflag:$0x3] =	stream.linear.gather [hbm4b:s5+s3], $0x1400, $0x38;
	[tilespmem:$0xA800] =	vst v63  }
0x11: {  	_ =	swait.ge [sflag:s10], $0x1400  }
0x12: {  	[sflag:s10] =	ssyncset.done $0x0  }
0x13: {  	[sflag:s10] =	ssyncadd.s32 $0xFFFFEC00  }
0x14: {  	[tilespmem:s11], [sflag:$0x3] =	stream.linear.gather [hbm4b:s6+s3], $0x1400, $0x38;
	[tilespmem:$0xA800] =	vst v63  }
0x15: {  	_ =	swait.ge [sflag:s10], $0x1400  }
0x16: {  	[sflag:s10] =	ssyncset.done $0x0  }
0x17: {  	[sflag:s10] =	ssyncadd.s32 $0xFFFFEC00  }
0x18: {  	[spmem:s13], [sflag:s12] =	dma.local [hbm:s7], $0xA00  }
0x19: {  	_ =	swait.ge [sflag:s10], $0xA00  }
0x1a: {  	[sflag:s10] =	ssyncset.done $0x0  }
0x1b: {  	[sflag:s10] =	ssyncadd.s32 $0xFFFFF600  }
0x1c: {  	[bflag:$0x0] =	sbarrier.arrive $0xFFFF  }
0x1d: {  	[tilespmem:s15], [sflag:$0x1] =	stream.indirect.gather [hbm4b:s4+s14], $0x10, s3, s14, $0xb8;
	[tilespmem:$0xA800] =	vst v63  }
0x1e: {  	s22 =	simm.s32 $0x0  }
0x1f: {  	[tilespmem:s16], [sflag:$0x2] =	stream.indirect.gather [hbm4b:s4+s14], $0x10, s14, s14, $0xb8;
	[tilespmem:$0xA800] =	vst v63  }
.LBB2_2:
0x20: {  	_ =	swait.ge [sflag:s17], $0x800  }
0x21: {  	[sflag:s17] =	ssyncset.done $0x0  }
0x22: {  	s23 =	simm.s32 $0x0;
	[sflag:s17] =	ssyncadd.s32 $0xFFFFF800  }
0x23: {  	v0 =	vld [tilespmem:s23+$0x2800];
	_ =	sdelay $0x4  }
0x24: {  	s23 =	simm.s32 $0x3810;
	v1 =	vshll.u32 v0, $0x10  }
0x25: {  	v0 =	vand.u32 $0xFFFF0000, v0;
	[tilespmem:s23+$0xFFFFFFF0] =	vst v1  }
0x26: {  	s25 =	simm.s32 $0x10;
	s24 =	simm.s32 $0x80;
	[tilespmem:s23+$0x0] =	vst v0  }
.LBB2_3:
0x27: {  	p0 =	sne.s32 s24, $0x1FC0;
	v0 =	vld [tilespmem:s25+$0x2800];
	_ =	sdelay $0x2  }
.Ltmp0:
0x28: {  	(pc) =	sbr.rel @p0 .LBB2_3-.Ltmp0, $4  }
0x29: {  	_ = 	snop  }
0x2a: {  	s23 =	sadd.s32 $0x20, s23;
	v1 =	vshll.u32 v0, $0x10;
	v0 =	vand.u32 $0xFFFF0000, v0  }
0x2b: {  	[tilespmem:s23+$0xFFFFFFF0] =	vst v1  }
0x2c: {  	s25 =	sshra.s32 s24, $0x2;
	s24 =	sadd.s32 $0x40, s24;
	[tilespmem:s23+$0x0] =	vst v0  }
0x2d: {  	v0 =	vld [tilespmem:s25+$0x2800];
	_ =	sdelay $0x4  }
0x2e: {  	s24 =	sadd.s32 $0x20, s23;
	s25 =	sshll.u32 s22, $0xA;
	p0 =	seq.s32 s22, $0x13;
	v1 =	vshll.u32 v0, $0x10  }
0x2f: {  	s23 =	sshrl.u32 @!p0 s25, $0x2;
	v0 =	vand.u32 $0xFFFF0000, v0;
	[tilespmem:s24+$0xFFFFFFF0] =	vst v1  }
0x30: {  	s26 =	simm.s32 @!p0 $0x80;
	s28 =	simm.s32 @!p0 $0x2800;
	[tilespmem:s24+$0x0] =	vst v0;
	s24 =	sadd.s32 @!p0 $0x100, s23  }
0x31: {  	[tilespmem:s28], [sflag:$0x1] =	stream.indirect.gather @!p0 [hbm4b:s4+s26], $0x10, s24, s26, $0xb8;
	[tilespmem:$0xA800] =	vst v63  }
0x32: {  	s24 =	sshrl.u32 s25, $0x2  }
0x33: {  	s25 =	sadd.s32 $0x1400, s24  }
0x34: {  	[spmem:s2] =	stream.indirect.scatter.add.f32 [tilespmem:s18], [sflag:$0x3], $0x20, s25, s14, $0xb8;
	[tilespmem:$0xA800] =	vst v63  }
0x35: {  	_ =	swait.ge [sflag:s10], $0x1000  }
0x36: {  	[sflag:s10] =	ssyncset.done $0x0  }
0x37: {  	[sflag:s10] =	ssyncadd.s32 $0xFFFFF000  }
0x38: {  	_ =	swait.ge [sflag:s19], $0x800  }
0x39: {  	[sflag:s19] =	ssyncset.done $0x0  }
0x3a: {  	s31 =	simm.s32 $0x0;
	[sflag:s19] =	ssyncadd.s32 $0xFFFFF800  }
0x3b: {  	v62 =	vld [tilespmem:s31+$0x3000];
	_ =	sdelay $0x4  }
0x3c: {  	s25 =	simm.s32 $0x4810;
	v63 =	vshll.u32 v62, $0x10  }
0x3d: {  	v0 =	vand.u32 $0xFFFF0000, v62;
	[tilespmem:s25+$0xFFFFFFF0] =	vst v63  }
0x3e: {  	s28 =	simm.s32 $0x10;
	s26 =	simm.s32 $0x80;
	[tilespmem:s25+$0x0] =	vst v0  }
.LBB2_5:
0x3f: {  	p1 =	sne.s32 s26, $0x1FC0;
	v0 =	vld [tilespmem:s28+$0x3000];
	_ =	sdelay $0x2  }
.Ltmp1:
0x40: {  	(pc) =	sbr.rel @p1 .LBB2_5-.Ltmp1, $4  }
0x41: {  	_ = 	snop  }
0x42: {  	s25 =	sadd.s32 $0x20, s25;
	v1 =	vshll.u32 v0, $0x10;
	v0 =	vand.u32 $0xFFFF0000, v0  }
0x43: {  	[tilespmem:s25+$0xFFFFFFF0] =	vst v1  }
0x44: {  	s28 =	sshra.s32 s26, $0x2;
	s26 =	sadd.s32 $0x40, s26;
	[tilespmem:s25+$0x0] =	vst v0  }
0x45: {  	v0 =	vld [tilespmem:s28+$0x3000];
	_ =	sdelay $0x4  }
0x46: {  	s25 =	sadd.s32 $0x20, s25;
	v1 =	vshll.u32 v0, $0x10  }
0x47: {  	s23 =	sadd.s32 @!p0 $0x180, s23;
	v0 =	vand.u32 $0xFFFF0000, v0;
	[tilespmem:s25+$0xFFFFFFF0] =	vst v1  }
0x48: {  	s26 =	simm.s32 @!p0 $0x3000;
	s22 =	sadd.s32 $0x1, s22;
	[tilespmem:s25+$0x0] =	vst v0;
	s25 =	simm.s32 @!p0 $0x80  }
0x49: {  	[tilespmem:s26], [sflag:$0x2] =	stream.indirect.gather @!p0 [hbm4b:s4+s25], $0x10, s23, s25, $0xb8;
	[tilespmem:$0xA800] =	vst v63  }
0x4a: {  	p0 =	sne.s32 s22, $0x14  }
.Ltmp2:
0x4b: {  	s31 =	sadd.s32 $0x1480, s24;
	(pc) =	sbr.rel @p0 .LBB2_2-.Ltmp2, $4  }
0x4c: {  	[spmem:s2] =	stream.indirect.scatter.add.f32 [tilespmem:s20], [sflag:$0x3], $0x20, s31, s14, $0xb8;
	[tilespmem:$0xA800] =	vst v63  }
0x4d: {  	_ =	swait.ge [sflag:s10], $0x1000  }
0x4e: {  	[sflag:s10] =	ssyncset.done $0x0  }
0x4f: {  	[sflag:s10] =	ssyncadd.s32 $0xFFFFF000  }
0x50: {  	s21 =	sadd.s32 $0x1, s21  }
0x51: {  	p0 =	sne.s32 s21, s9  }
.Ltmp3:
0x52: {  	[bflag:$0x0] =	sbarrier.arrive $0xFFFF;
	(pc) =	sbr.rel @p0 .LBB2_1-.Ltmp3, $4  }
0x53: {  	[hbm:s8], [sflag:s12] =	dma.local [spmem:s13], $0xA00  }
0x54: {  	_ =	swait.ge [sflag:s10], $0xA00  }
0x55: {  	[sflag:s10] =	ssyncset.done $0x0  }
0x56: {  	[sflag:s10] =	ssyncadd.s32 $0xFFFFF600  }
0x57: {  	_ =	sfence.sel $0x180000  }
0x58: {  	[bflag:$0x0] =	sbarrier.arrive $0xFFFF  }
0x59: {  	p0 =	sne.s32 s0, $0x0;
	_ =	strace $0x90000047  }
0x5a: {  	s0 =	sadd.s32 @!p0 $0x100000, s1;
	[bflag:$0x2] =	sbarrier.arrive $0xFFFF  }
0x5b: {  	[sflag:s0] =	ssyncadd.tile.s32 @!p0 $0x1;
	_ =	shalt  }
.Lfunc_end2:
_tile_overlayer_lowered:
.L_overlay_start_2:
0x5c: {  	(tag) =	ssettag $0x2  }
0x5d: {  	s0 =	rddreg [dreg:$0x0];
	s2 =	stileid.u32  }
0x5e: {  	s1 =	rddreg [dreg:$0x1];
	p0 =	sne.s32 s2, $0x0  }
0x5f: {  	s3 =	rddreg [dreg:$0x2];
	[bflag:$0x3] =	sbarrier.arrive $0xFFFF;
	s2 =	simm.s32 @!p0 $0x1C03  }
0x60: {  	[timem:s3], [sflag:s2] =	dma.local @!p0 [hbm:s0], s1  }
0x61: {  	s0 =	simm.s32 @!p0 $0x3  }
0x62: {  	_ =	swait.ge @!p0 [sflag:s0], s1  }
0x63: {  	s1 =	ssub.s32 @!p0 $0x0, s1;
	[sflag:s0] =	ssyncset.done @!p0 $0x0  }
0x64: {  	[sflag:s0] =	ssyncadd.s32 @!p0 s1  }
0x65: {  	[bflag:$0x3] =	sbarrier.arrive $0xFFFF  }
0x66: {  	_ =	shalt  }

</sc_bundles>
